<compile_context>
chip_gen: v7x
topology: tpu7x:2x2x1
jax: 0.10.2.dev20260603
libtpu: 0.0.44.dev20260713+nightly
codegen_flags: <defaults>
</compile_context>

<pallas_src>
import functools

import jax
import jax.numpy as jnp
from jax import lax
from jax.experimental import pallas as pl
from jax.experimental.pallas import tpu as pltpu
from jax.experimental.pallas import tpu_sc as plsc

N = 10000
E = 320000
D = 128
DE = 16
H = 128
OUT = 2

NC = 2
NS = 16
NW = NC * NS
CH = 128
EPT = 10112
K = EPT // CH
EP = NW * EPT
AR = 10112
ZR = AR // NS
DR = 80

ETAIL = E - (NW - 1) * EPT


def _seg_sum_body(table, src3, dst3, zeros, ident, out, outdeg,
                  acc, accdeg, sidx, didx, rows, degv, identv):
    c = lax.axis_index("c")
    s = lax.axis_index("s")
    t = s * NC + c
    pltpu.sync_copy(zeros, acc.at[pl.ds(s * ZR, ZR)])
    pltpu.sync_copy(zeros.at[pl.ds(0, DR)], degv)

    @pl.when(s == 0)
    def _():
        pltpu.sync_copy(zeros.at[pl.ds(0, DR)], accdeg)

    pltpu.sync_copy(src3.at[t], sidx)
    pltpu.sync_copy(dst3.at[t], didx)
    pltpu.sync_copy(ident, identv)
    plsc.subcore_barrier()

    def body(k, carry):
        for g in range(CH // 16):
            d16 = didx[k, pl.ds(g * 16, 16)]
            cnt, last = plsc.scan_count(d16)
            plsc.addupdate_scatter(
                degv,
                [lax.shift_right_logical(d16, 7), lax.bitwise_and(d16, 127)],
                cnt.astype(jnp.float32), mask=last)
        pltpu.sync_copy(table.at[sidx.at[k]], rows)
        pltpu.sync_copy(rows, acc.at[didx.at[k]], add=True)
        return carry

    lax.fori_loop(0, K, body, 0)
    pltpu.sync_copy(degv, accdeg.at[identv], add=True)
    plsc.subcore_barrier()
    pltpu.sync_copy(acc.at[pl.ds(s * ZR, ZR)], out.at[c, pl.ds(s * ZR, ZR)])

    @pl.when(s == 0)
    def _():
        pltpu.sync_copy(accdeg, outdeg.at[c])


def _cmb_loop(nk, pv, sidx, didx, o0v, o1v):
    lanes = lax.iota(jnp.int32, 16)

    def body(k, carry):
        for g in range(CH // 16):
            s16 = sidx[k, pl.ds(g * 16, 16)] * 4
            d16 = didx[k, pl.ds(g * 16, 16)] * 4
            row = k * CH + g * 16 + lanes
            a0 = plsc.load_gather(pv, [s16])
            a1 = plsc.load_gather(pv, [s16 + 1])
            b0 = plsc.load_gather(pv, [d16 + 2])
            b1 = plsc.load_gather(pv, [d16 + 3])
            plsc.store_scatter(o0v, [row], a0 + b0)
            plsc.store_scatter(o1v, [row], a1 + b1)
        return carry

    lax.fori_loop(0, nk, body, 0)


def _combine_body(ptab, src3, dst3, g0, g1, pv, sidx, didx, o0v, o1v):
    c = lax.axis_index("c")
    s = lax.axis_index("s")
    t = s * NC + c
    pltpu.sync_copy(ptab, pv)
    pltpu.sync_copy(src3.at[t], sidx)
    pltpu.sync_copy(dst3.at[t], didx)
    _cmb_loop(K, pv, sidx, didx, o0v, o1v)

    @pl.when(t < NW - 1)
    def _():
        pltpu.sync_copy(o0v, g0.at[pl.ds(t * EPT, EPT)])
        pltpu.sync_copy(o1v, g1.at[pl.ds(t * EPT, EPT)])

    @pl.when(t == NW - 1)
    def _():
        pltpu.sync_copy(o0v.at[pl.ds(0, ETAIL)], g0.at[pl.ds(t * EPT, ETAIL)])
        pltpu.sync_copy(o1v.at[pl.ds(0, ETAIL)], g1.at[pl.ds(t * EPT, ETAIL)])


@functools.lru_cache(maxsize=None)
def _sc_kernels():
    mesh = plsc.VectorSubcoreMesh(core_axis_name="c", subcore_axis_name="s",
                                  num_cores=NC, num_subcores=NS)
    params = pltpu.CompilerParams(needs_layout_passes=False)
    seg_sum = pl.kernel(
        _seg_sum_body,
        out_type=(jax.ShapeDtypeStruct((NC, AR, H), jnp.float32),
                  jax.ShapeDtypeStruct((NC, DR, 128), jnp.float32)),
        mesh=mesh,
        scratch_types=[
            pltpu.VMEM_SHARED((AR, H), jnp.float32),
            pltpu.VMEM_SHARED((DR, 128), jnp.float32),
            pltpu.VMEM((K, CH), jnp.int32),
            pltpu.VMEM((K, CH), jnp.int32),
            pltpu.VMEM((CH, H), jnp.float32),
            pltpu.VMEM((DR, 128), jnp.float32),
            pltpu.VMEM((DR,), jnp.int32),
        ],
        compiler_params=params,
    )
    combine = pl.kernel(
        _combine_body,
        out_type=(jax.ShapeDtypeStruct((E,), jnp.float32),
                  jax.ShapeDtypeStruct((E,), jnp.float32)),
        mesh=mesh,
        scratch_types=[
            pltpu.VMEM((AR * 4,), jnp.float32),
            pltpu.VMEM((K, CH), jnp.int32),
            pltpu.VMEM((K, CH), jnp.int32),
            pltpu.VMEM((EPT,), jnp.float32),
            pltpu.VMEM((EPT,), jnp.float32),
        ],
        compiler_params=params,
    )
    return seg_sum, combine


_R = 1000


def _sage1_body(p0, p1, xe, d0, d1, w, b, o):
    se = p0[...] + p1[...] + xe[...]
    rec = 1.0 / (d0[...] + d1[...] + 1.0)
    hn = se * rec
    o[...] = jnp.maximum(
        jnp.dot(hn, w[...], preferred_element_type=jnp.float32) + b[...], 0.0)


def _sage2_body(p0, p1, h1, d0, d1, w, b, wcab, o):
    se = p0[...] + p1[...] + h1[...]
    rec = 1.0 / (d0[...] + d1[...] + 1.0)
    hn = se * rec
    ne = jnp.dot(hn, w[...], preferred_element_type=jnp.float32) + b[...]
    hnode = jnp.maximum(ne, 0.0)
    o[...] = jnp.dot(hnode, wcab[...], preferred_element_type=jnp.float32)


def _final_body(ef, g0, g1, we, bet, wccx, bcp, o):
    i = pl.program_id(0)
    het = jnp.maximum(
        lax.dot_general(we[...], ef[...], (((0,), (1,)), ((), ())),
                        preferred_element_type=jnp.float32) + bet[...], 0.0)
    aug = jnp.concatenate([het, g0[pl.ds(i * _ER, _ER)].reshape(1, _ER),
                           g1[pl.ds(i * _ER, _ER)].reshape(1, _ER)], axis=0)
    res = lax.dot_general(aug, wccx[...], (((0,), (0,)), ((), ())),
                          preferred_element_type=jnp.float32)
    o[...] = res + bcp[...]


def _node_spec():
    return pl.BlockSpec((_R, H), lambda i: (i, 0))


def _deg_spec():
    return pl.BlockSpec((_R, 1), lambda i: (i, 0))


def _full(shape):
    return pl.BlockSpec(shape, lambda i: tuple(0 for _ in shape))


_sage1 = pl.pallas_call(
    _sage1_body,
    grid=(N // _R,),
    in_specs=[_node_spec(), _node_spec(), _node_spec(),
              _deg_spec(), _deg_spec(), _full((H, H)), _full((1, H))],
    out_specs=_node_spec(),
    out_shape=jax.ShapeDtypeStruct((N, H), jnp.float32),
)

_sage2 = pl.pallas_call(
    _sage2_body,
    grid=(N // _R,),
    in_specs=[_node_spec(), _node_spec(), _node_spec(),
              _deg_spec(), _deg_spec(),
              _full((H, H)), _full((1, H)), _full((H, 4))],
    out_specs=pl.BlockSpec((_R, 4), lambda i: (i, 0)),
    out_shape=jax.ShapeDtypeStruct((AR, 4), jnp.float32),
)

_ER = 3200

_final = pl.pallas_call(
    _final_body,
    grid=(E // _ER,),
    in_specs=[pl.BlockSpec((_ER, DE), lambda i: (i, 0)),
              _full((E,)), _full((E,)),
              _full((DE, H)), _full((H, 1)), _full((H + 2, OUT)),
              _full((1, OUT))],
    out_specs=pl.BlockSpec((_ER, OUT), lambda i: (i, 0)),
    out_shape=jax.ShapeDtypeStruct((E, OUT), jnp.float32),
)


def kernel(node_feats, edge_index, edge_feats, W1, b1, W2, b2, We, be, Wc, bc):
    f32 = jnp.float32
    src = edge_index[0].astype(jnp.int32)
    dst = edge_index[1].astype(jnp.int32)
    pad = EP - E
    fill = jnp.full((pad,), N, jnp.int32)
    src3 = jnp.concatenate([src, fill]).reshape(NW, K, CH)
    dst3 = jnp.concatenate([dst, fill]).reshape(NW, K, CH)

    x = node_feats.astype(f32)
    x_pad = jnp.pad(x, ((0, AR - N), (0, 0)))
    zeros_blk = jnp.zeros((ZR, H), f32)
    ident = jnp.arange(DR, dtype=jnp.int32)

    seg_sum, combine = _sc_kernels()
    parts1, degp = seg_sum(x_pad, src3, dst3, zeros_blk, ident)
    deg0 = degp[0].reshape(DR * 128)[:N].reshape(N, 1)
    deg1 = degp[1].reshape(DR * 128)[:N].reshape(N, 1)
    h1 = _sage1(parts1[0], parts1[1], x, deg0, deg1, W1, b1.reshape(1, H))
    h1_pad = jnp.pad(h1, ((0, AR - N), (0, 0)))
    parts2, _ = seg_sum(h1_pad, src3, dst3, zeros_blk, ident)

    wcab = jnp.concatenate([Wc[0:H], Wc[H:2 * H]], axis=1)
    ptab = _sage2(parts2[0], parts2[1], h1, deg0, deg1, W2,
                  b2.reshape(1, H), wcab)

    g0, g1 = combine(ptab.reshape(AR * 4), src3, dst3)
    wccx = jnp.concatenate([Wc[2 * H:3 * H],
                            jnp.eye(OUT, dtype=f32)], axis=0)
    return _final(edge_feats.astype(f32), g0, g1, We, be.reshape(H, 1),
                  wccx, bc.reshape(1, OUT))

# --- scband reference (transcript-rebuilt; emitter-appended) ---
"""Pipeline reference for scband-edge-classifier-20237885899320 (READ-ONLY COPY).

The authoritative reference and input builder live on the scoring server;
editing this copy changes nothing except your own understanding.
"""

import jax, jax.numpy as jnp
import numpy as np

N = 10000
E = 320000
D = 128   # in_node_feats
DE = 16   # in_edge_feats
H = 128   # hidden_size
OUT = 2   # out_size


def setup_inputs(seed: int = 0) -> dict:
    key = jax.random.key(seed)
    ks = jax.random.split(key, 12)
    node_feats = jax.random.normal(ks[0], (N, D), dtype=jnp.float32)
    edge_index = jax.random.randint(ks[1], (2, E), 0, N)
    edge_feats = jax.random.normal(ks[2], (E, DE), dtype=jnp.float32)
    # SAGEConv1 (gcn aggregator): fc_neigh weight/bias
    W1 = jax.random.normal(ks[3], (D, H), dtype=jnp.float32) / np.sqrt(D)
    b1 = jnp.zeros((H,), dtype=jnp.float32)
    # SAGEConv2
    W2 = jax.random.normal(ks[4], (H, H), dtype=jnp.float32) / np.sqrt(H)
    b2 = jnp.zeros((H,), dtype=jnp.float32)
    # edge_embedding Linear(in_edge_feats, hidden)
    We = jax.random.normal(ks[5], (DE, H), dtype=jnp.float32) / np.sqrt(DE)
    be = jnp.zeros((H,), dtype=jnp.float32)
    # classifier Linear(3*hidden, out)
    Wc = jax.random.normal(ks[6], (3 * H, OUT), dtype=jnp.float32) / np.sqrt(3 * H)
    bc = jnp.zeros((OUT,), dtype=jnp.float32)
    return {"node_feats": node_feats, "edge_index": edge_index, "edge_feats": edge_feats,
            "W1": W1, "b1": b1, "W2": W2, "b2": b2, "We": We, "be": be, "Wc": Wc, "bc": bc}


def reference(node_feats, edge_index, edge_feats, W1, b1, W2, b2, We, be, Wc, bc):
    src = edge_index[0]
    dst = edge_index[1]
    # in-degree of dst nodes
    deg = jnp.zeros((N,), node_feats.dtype).at[dst].add(1.0)

    def sage_gcn(h, W, b):
        # DGL SAGEConv aggregator_type='gcn':
        # h_neigh = (sum_{j in N(i)} h_j + h_i) / (deg_i + 1); rst = fc_neigh(h_neigh)
        agg = jnp.zeros((N, h.shape[1]), h.dtype).at[dst].add(h[src])
        h_neigh = (agg + h) / (deg[:, None] + 1.0)
        return h_neigh @ W + b

    h = jax.nn.relu(sage_gcn(node_feats, W1, b1))
    node_embedding = sage_gcn(h, W2, b2)
    h_nodes = jax.nn.relu(node_embedding)
    h_edges = jax.nn.relu(edge_feats @ We + be)
    # apply_edges: cat([src feat, dst feat, edge feat], dim=1)
    feat = jnp.concatenate([h_nodes[src], h_nodes[dst], h_edges], axis=1)
    edge_preds = feat @ Wc + bc
    return edge_preds

if __name__ == "__main__":
    import jax
    _d = setup_inputs()
    print(jax.jit(kernel)(*tuple(_d.values())))

</pallas_src>

<mosaic_0001>
#map = affine_map<(d0, d1) -> (0, 0)>
#map1 = affine_map<(d0, d1) -> (0, 0, 0)>
#map2 = affine_map<(d0, d1) -> (0)>
module attributes {stable_mosaic.version = 14 : i64} {
  func.func @_seg_sum_body(%arg0: i32, %arg1: i32, %arg2: memref<10112x128xf32, #tpu.memory_space<hbm>>, %arg3: memref<32x79x128xi32, #tpu.memory_space<hbm>>, %arg4: memref<32x79x128xi32, #tpu.memory_space<hbm>>, %arg5: memref<632x128xf32, #tpu.memory_space<hbm>>, %arg6: memref<80xi32, #tpu.memory_space<hbm>>, %arg7: memref<2x10112x128xf32, #tpu.memory_space<hbm>>, %arg8: memref<2x80x128xf32, #tpu.memory_space<hbm>>, %arg9: memref<10112x128xf32, #tpu.memory_space<vmem_shared>>, %arg10: memref<80x128xf32, #tpu.memory_space<vmem_shared>>, %arg11: memref<79x128xi32, #tpu.memory_space<vmem>>, %arg12: memref<79x128xi32, #tpu.memory_space<vmem>>, %arg13: memref<128x128xf32, #tpu.memory_space<vmem>>, %arg14: memref<80x128xf32, #tpu.memory_space<vmem>>, %arg15: memref<80xi32, #tpu.memory_space<vmem>>) attributes {dimension_semantics = [#tpu.dimension_semantics<core_parallel>, #tpu.dimension_semantics<subcore_parallel>], iteration_bounds = array<i64: 2, 16>, scalar_prefetch = 0 : i64, scratch_operands = 7 : i64, tpu.core_type = #tpu.core_type<sc_vector_subcore>, window_params = [{transform_indices = #map}, {transform_indices = #map1}, {transform_indices = #map1}, {transform_indices = #map}, {transform_indices = #map2}, {transform_indices = #map1}, {transform_indices = #map1}]} {
    %mul3A = arith.constant 2 : i32
    %mul3A_0 = arith.muli %arg1, %mul3A : i32
    %add3A = arith.addi %mul3A_0, %arg0 : i32
    %mul3A_1 = arith.constant 632 : i32
    %mul3A_2 = arith.muli %arg1, %mul3A_1 : i32
    "tpu.region"() ({
      %run_scoped3A = tpu.sem_alloc : memref<!tpu.dma_semaphore, #tpu.memory_space<semaphore_mem>>
      %dma_start3A = arith.constant 0 : i32
      %dma_start3A_20 = tpu.memref_slice %arg9[%mul3A_2, %dma_start3A] : memref<10112x128xf32, #tpu.memory_space<vmem_shared>> -> memref<632x128xf32, #tpu.memory_space<vmem_shared>>
      tpu.enqueue_dma source(%arg5 : memref<632x128xf32, #tpu.memory_space<hbm>>) target(%dma_start3A_20 : memref<632x128xf32, #tpu.memory_space<vmem_shared>>) target_semaphore(%run_scoped3A : memref<!tpu.dma_semaphore, #tpu.memory_space<semaphore_mem>>)
      %dma_wait3A = arith.constant 0 : i32
      %dma_wait3A_21 = tpu.memref_slice %arg9[%mul3A_2, %dma_wait3A] : memref<10112x128xf32, #tpu.memory_space<vmem_shared>> -> memref<632x128xf32, #tpu.memory_space<vmem_shared>>
      tpu.wait_dma2 semaphore(%run_scoped3A : memref<!tpu.dma_semaphore, #tpu.memory_space<semaphore_mem>>) src(%arg5 : memref<632x128xf32, #tpu.memory_space<hbm>>) dst(%dma_wait3A_21 : memref<632x128xf32, #tpu.memory_space<vmem_shared>>)
      tpu.yield
    }) : () -> ()
    "tpu.region"() ({
      %run_scoped3A = tpu.sem_alloc : memref<!tpu.dma_semaphore, #tpu.memory_space<semaphore_mem>>
      %dma_start3A = arith.constant 0 : i32
      %dma_start3A_20 = arith.constant 0 : i32
      %dma_start3A_21 = tpu.memref_slice %arg5[%dma_start3A, %dma_start3A_20] : memref<632x128xf32, #tpu.memory_space<hbm>> -> memref<80x128xf32, #tpu.memory_space<hbm>>
      %dma_start3A_22 = arith.constant 0 : i32
      %dma_start3A_23 = arith.constant 0 : i32
      %dma_start3A_24 = tpu.memref_slice %arg5[%dma_start3A_22, %dma_start3A_23] : memref<632x128xf32, #tpu.memory_space<hbm>> -> memref<80x128xf32, #tpu.memory_space<hbm>>
      tpu.enqueue_dma source(%dma_start3A_24 : memref<80x128xf32, #tpu.memory_space<hbm>>) target(%arg14 : memref<80x128xf32, #tpu.memory_space<vmem>>) target_semaphore(%run_scoped3A : memref<!tpu.dma_semaphore, #tpu.memory_space<semaphore_mem>>)
      %dma_wait3A = arith.constant 0 : i32
      %dma_wait3A_25 = arith.constant 0 : i32
      %dma_wait3A_26 = tpu.memref_slice %arg5[%dma_wait3A, %dma_wait3A_25] : memref<632x128xf32, #tpu.memory_space<hbm>> -> memref<80x128xf32, #tpu.memory_space<hbm>>
      %dma_wait3A_27 = arith.constant 0 : i32
      %dma_wait3A_28 = arith.constant 0 : i32
      %dma_wait3A_29 = tpu.memref_slice %arg5[%dma_wait3A_27, %dma_wait3A_28] : memref<632x128xf32, #tpu.memory_space<hbm>> -> memref<80x128xf32, #tpu.memory_space<hbm>>
      tpu.wait_dma2 semaphore(%run_scoped3A : memref<!tpu.dma_semaphore, #tpu.memory_space<semaphore_mem>>) src(%dma_wait3A_29 : memref<80x128xf32, #tpu.memory_space<hbm>>) dst(%arg14 : memref<80x128xf32, #tpu.memory_space<vmem>>)
      tpu.yield
    }) : () -> ()
    %eq3A = arith.constant 0 : i32
    %eq3A_3 = arith.cmpi eq, %arg1, %eq3A : i32
    %convert_element_type3A = arith.extui %eq3A_3 : i1 to i32
    %cond3A = arith.constant 0 : i32
    %cond3A_4 = arith.cmpi ne, %convert_element_type3A, %cond3A : i32
    scf.if %cond3A_4 {
      "tpu.region"() ({
        %run_scoped3A = tpu.sem_alloc : memref<!tpu.dma_semaphore, #tpu.memory_space<semaphore_mem>>
        %dma_start3A = arith.constant 0 : i32
        %dma_start3A_20 = arith.constant 0 : i32
        %dma_start3A_21 = tpu.memref_slice %arg5[%dma_start3A, %dma_start3A_20] : memref<632x128xf32, #tpu.memory_space<hbm>> -> memref<80x128xf32, #tpu.memory_space<hbm>>
        tpu.enqueue_dma source(%dma_start3A_21 : memref<80x128xf32, #tpu.memory_space<hbm>>) target(%arg10 : memref<80x128xf32, #tpu.memory_space<vmem_shared>>) target_semaphore(%run_scoped3A : memref<!tpu.dma_semaphore, #tpu.memory_space<semaphore_mem>>)
        %dma_wait3A = arith.constant 0 : i32
        %dma_wait3A_22 = arith.constant 0 : i32
        %dma_wait3A_23 = tpu.memref_slice %arg5[%dma_wait3A, %dma_wait3A_22] : memref<632x128xf32, #tpu.memory_space<hbm>> -> memref<80x128xf32, #tpu.memory_space<hbm>>
        tpu.wait_dma2 semaphore(%run_scoped3A : memref<!tpu.dma_semaphore, #tpu.memory_space<semaphore_mem>>) src(%dma_wait3A_23 : memref<80x128xf32, #tpu.memory_space<hbm>>) dst(%arg10 : memref<80x128xf32, #tpu.memory_space<vmem_shared>>)
        tpu.yield
      }) : () -> ()
    } else {
    }
    "tpu.region"() ({
      %run_scoped3A = tpu.sem_alloc : memref<!tpu.dma_semaphore, #tpu.memory_space<semaphore_mem>>
      %dma_start3A = arith.constant 0 : i32
      %dma_start3A_20 = arith.constant 0 : i32
      %dma_start3A_21 = tpu.memref_slice %arg3[%add3A, %dma_start3A, %dma_start3A_20] : memref<32x79x128xi32, #tpu.memory_space<hbm>> -> memref<1x79x128xi32, #tpu.memory_space<hbm>>
      %dma_start3A_22 = tpu.memref_squeeze %dma_start3A_21 : memref<1x79x128xi32, #tpu.memory_space<hbm>> -> memref<79x128xi32, #tpu.memory_space<hbm>>
      %dma_start3A_23 = arith.constant 0 : i32
      %dma_start3A_24 = arith.constant 0 : i32
      %dma_start3A_25 = tpu.memref_slice %arg3[%add3A, %dma_start3A_23, %dma_start3A_24] : memref<32x79x128xi32, #tpu.memory_space<hbm>> -> memref<1x79x128xi32, #tpu.memory_space<hbm>>
      %dma_start3A_26 = tpu.memref_squeeze %dma_start3A_25 : memref<1x79x128xi32, #tpu.memory_space<hbm>> -> memref<79x128xi32, #tpu.memory_space<hbm>>
      tpu.enqueue_dma source(%dma_start3A_26 : memref<79x128xi32, #tpu.memory_space<hbm>>) target(%arg11 : memref<79x128xi32, #tpu.memory_space<vmem>>) target_semaphore(%run_scoped3A : memref<!tpu.dma_semaphore, #tpu.memory_space<semaphore_mem>>)
      %dma_wait3A = arith.constant 0 : i32
      %dma_wait3A_27 = arith.constant 0 : i32
      %dma_wait3A_28 = tpu.memref_slice %arg3[%add3A, %dma_wait3A, %dma_wait3A_27] : memref<32x79x128xi32, #tpu.memory_space<hbm>> -> memref<1x79x128xi32, #tpu.memory_space<hbm>>
      %dma_wait3A_29 = tpu.memref_squeeze %dma_wait3A_28 : memref<1x79x128xi32, #tpu.memory_space<hbm>> -> memref<79x128xi32, #tpu.memory_space<hbm>>
      %dma_wait3A_30 = arith.constant 0 : i32
      %dma_wait3A_31 = arith.constant 0 : i32
      %dma_wait3A_32 = tpu.memref_slice %arg3[%add3A, %dma_wait3A_30, %dma_wait3A_31] : memref<32x79x128xi32, #tpu.memory_space<hbm>> -> memref<1x79x128xi32, #tpu.memory_space<hbm>>
      %dma_wait3A_33 = tpu.memref_squeeze %dma_wait3A_32 : memref<1x79x128xi32, #tpu.memory_space<hbm>> -> memref<79x128xi32, #tpu.memory_space<hbm>>
      tpu.wait_dma2 semaphore(%run_scoped3A : memref<!tpu.dma_semaphore, #tpu.memory_space<semaphore_mem>>) src(%dma_wait3A_33 : memref<79x128xi32, #tpu.memory_space<hbm>>) dst(%arg11 : memref<79x128xi32, #tpu.memory_space<vmem>>)
      tpu.yield
    }) : () -> ()
    "tpu.region"() ({
      %run_scoped3A = tpu.sem_alloc : memref<!tpu.dma_semaphore, #tpu.memory_space<semaphore_mem>>
      %dma_start3A = arith.constant 0 : i32
      %dma_start3A_20 = arith.constant 0 : i32
      %dma_start3A_21 = tpu.memref_slice %arg4[%add3A, %dma_start3A, %dma_start3A_20] : memref<32x79x128xi32, #tpu.memory_space<hbm>> -> memref<1x79x128xi32, #tpu.memory_space<hbm>>
      %dma_start3A_22 = tpu.memref_squeeze %dma_start3A_21 : memref<1x79x128xi32, #tpu.memory_space<hbm>> -> memref<79x128xi32, #tpu.memory_space<hbm>>
      %dma_start3A_23 = arith.constant 0 : i32
      %dma_start3A_24 = arith.constant 0 : i32
      %dma_start3A_25 = tpu.memref_slice %arg4[%add3A, %dma_start3A_23, %dma_start3A_24] : memref<32x79x128xi32, #tpu.memory_space<hbm>> -> memref<1x79x128xi32, #tpu.memory_space<hbm>>
      %dma_start3A_26 = tpu.memref_squeeze %dma_start3A_25 : memref<1x79x128xi32, #tpu.memory_space<hbm>> -> memref<79x128xi32, #tpu.memory_space<hbm>>
      tpu.enqueue_dma source(%dma_start3A_26 : memref<79x128xi32, #tpu.memory_space<hbm>>) target(%arg12 : memref<79x128xi32, #tpu.memory_space<vmem>>) target_semaphore(%run_scoped3A : memref<!tpu.dma_semaphore, #tpu.memory_space<semaphore_mem>>)
      %dma_wait3A = arith.constant 0 : i32
      %dma_wait3A_27 = arith.constant 0 : i32
      %dma_wait3A_28 = tpu.memref_slice %arg4[%add3A, %dma_wait3A, %dma_wait3A_27] : memref<32x79x128xi32, #tpu.memory_space<hbm>> -> memref<1x79x128xi32, #tpu.memory_space<hbm>>
      %dma_wait3A_29 = tpu.memref_squeeze %dma_wait3A_28 : memref<1x79x128xi32, #tpu.memory_space<hbm>> -> memref<79x128xi32, #tpu.memory_space<hbm>>
      %dma_wait3A_30 = arith.constant 0 : i32
      %dma_wait3A_31 = arith.constant 0 : i32
      %dma_wait3A_32 = tpu.memref_slice %arg4[%add3A, %dma_wait3A_30, %dma_wait3A_31] : memref<32x79x128xi32, #tpu.memory_space<hbm>> -> memref<1x79x128xi32, #tpu.memory_space<hbm>>
      %dma_wait3A_33 = tpu.memref_squeeze %dma_wait3A_32 : memref<1x79x128xi32, #tpu.memory_space<hbm>> -> memref<79x128xi32, #tpu.memory_space<hbm>>
      tpu.wait_dma2 semaphore(%run_scoped3A : memref<!tpu.dma_semaphore, #tpu.memory_space<semaphore_mem>>) src(%dma_wait3A_33 : memref<79x128xi32, #tpu.memory_space<hbm>>) dst(%arg12 : memref<79x128xi32, #tpu.memory_space<vmem>>)
      tpu.yield
    }) : () -> ()
    "tpu.region"() ({
      %run_scoped3A = tpu.sem_alloc : memref<!tpu.dma_semaphore, #tpu.memory_space<semaphore_mem>>
      tpu.enqueue_dma source(%arg6 : memref<80xi32, #tpu.memory_space<hbm>>) target(%arg15 : memref<80xi32, #tpu.memory_space<vmem>>) target_semaphore(%run_scoped3A : memref<!tpu.dma_semaphore, #tpu.memory_space<semaphore_mem>>)
      tpu.wait_dma2 semaphore(%run_scoped3A : memref<!tpu.dma_semaphore, #tpu.memory_space<semaphore_mem>>) src(%arg6 : memref<80xi32, #tpu.memory_space<hbm>>) dst(%arg15 : memref<80xi32, #tpu.memory_space<vmem>>)
      tpu.yield
    }) : () -> ()
    %barrier3A = arith.constant 0 : index
    tpu.barrier barrier_id(%barrier3A)
    %scan3A = arith.constant 0 : i32
    %scan3A_5 = arith.constant 0 : i32
    %scan3A_6 = arith.constant 79 : i32
    %scan3A_7 = arith.addi %scan3A_5, %scan3A_6 : i32
    %scan3A_8 = arith.constant 1 : i32
    scf.for %scan3A_20 = %scan3A_5 to %scan3A_7 step %scan3A_8  : i32 {
      %get3A = arith.index_cast %scan3A_20 : i32 to index
      %get3A_21 = arith.constant 0 : index
      %get3A_22 = tpu.vector_load %arg12[%get3A, %get3A_21] {strides = array<i32>} : memref<79x128xi32, #tpu.memory_space<vmem>>, vector<16xi32>,
      %broadcast_in_dim3A = arith.constant true
      %broadcast_in_dim3A_23 = vector.broadcast %broadcast_in_dim3A : i1 to vector<16xi1>
      %unique3A, %unique3A_24 = tpu.scan_count mask(%broadcast_in_dim3A_23 : vector<16xi1>) value(%get3A_22 : vector<16xi32>) : vector<16xi1>, vector<16xi32>
      %shift_right_logical3A = arith.constant 7 : i32
      %shift_right_logical3A_25 = vector.broadcast %shift_right_logical3A : i32 to vector<16xi32>
      %shift_right_logical3A_26 = arith.shrui %get3A_22, %shift_right_logical3A_25 : vector<16xi32>
      %and3A = arith.constant 127 : i32
      %and3A_27 = vector.broadcast %and3A : i32 to vector<16xi32>
      %and3A_28 = arith.andi %get3A_22, %and3A_27 : vector<16xi32>
      %convert_element_type3A_29 = arith.sitofp %unique3A_24 : vector<16xi32> to vector<16xf32>
      tpu.vector_store_idx %arg14[%shift_right_logical3A_26, %and3A_28], %convert_element_type3A_29 masked %unique3A {add = true} : memref<80x128xf32, #tpu.memory_space<vmem>>[vector<16xi32>, vector<16xi32>], vector<16xf32>, vector<16xi1>
      %get3A_30 = arith.index_cast %scan3A_20 : i32 to index
      %get3A_31 = arith.constant 16 : index
      %get3A_32 = tpu.vector_load %arg12[%get3A_30, %get3A_31] {strides = array<i32>} : memref<79x128xi32, #tpu.memory_space<vmem>>, vector<16xi32>,
      %broadcast_in_dim3A_33 = arith.constant true
      %broadcast_in_dim3A_34 = vector.broadcast %broadcast_in_dim3A_33 : i1 to vector<16xi1>
      %unique3A_35, %unique3A_36 = tpu.scan_count mask(%broadcast_in_dim3A_34 : vector<16xi1>) value(%get3A_32 : vector<16xi32>) : vector<16xi1>, vector<16xi32>
      %shift_right_logical3A_37 = arith.constant 7 : i32
      %shift_right_logical3A_38 = vector.broadcast %shift_right_logical3A_37 : i32 to vector<16xi32>
      %shift_right_logical3A_39 = arith.shrui %get3A_32, %shift_right_logical3A_38 : vector<16xi32>
      %and3A_40 = arith.constant 127 : i32
      %and3A_41 = vector.broadcast %and3A_40 : i32 to vector<16xi32>
      %and3A_42 = arith.andi %get3A_32, %and3A_41 : vector<16xi32>
      %convert_element_type3A_43 = arith.sitofp %unique3A_36 : vector<16xi32> to vector<16xf32>
      tpu.vector_store_idx %arg14[%shift_right_logical3A_39, %and3A_42], %convert_element_type3A_43 masked %unique3A_35 {add = true} : memref<80x128xf32, #tpu.memory_space<vmem>>[vector<16xi32>, vector<16xi32>], vector<16xf32>, vector<16xi1>
      %get3A_44 = arith.index_cast %scan3A_20 : i32 to index
      %get3A_45 = arith.constant 32 : index
      %get3A_46 = tpu.vector_load %arg12[%get3A_44, %get3A_45] {strides = array<i32>} : memref<79x128xi32, #tpu.memory_space<vmem>>, vector<16xi32>,
      %broadcast_in_dim3A_47 = arith.constant true
      %broadcast_in_dim3A_48 = vector.broadcast %broadcast_in_dim3A_47 : i1 to vector<16xi1>
      %unique3A_49, %unique3A_50 = tpu.scan_count mask(%broadcast_in_dim3A_48 : vector<16xi1>) value(%get3A_46 : vector<16xi32>) : vector<16xi1>, vector<16xi32>
      %shift_right_logical3A_51 = arith.constant 7 : i32
      %shift_right_logical3A_52 = vector.broadcast %shift_right_logical3A_51 : i32 to vector<16xi32>
      %shift_right_logical3A_53 = arith.shrui %get3A_46, %shift_right_logical3A_52 : vector<16xi32>
      %and3A_54 = arith.constant 127 : i32
      %and3A_55 = vector.broadcast %and3A_54 : i32 to vector<16xi32>
      %and3A_56 = arith.andi %get3A_46, %and3A_55 : vector<16xi32>
      %convert_element_type3A_57 = arith.sitofp %unique3A_50 : vector<16xi32> to vector<16xf32>
      tpu.vector_store_idx %arg14[%shift_right_logical3A_53, %and3A_56], %convert_element_type3A_57 masked %unique3A_49 {add = true} : memref<80x128xf32, #tpu.memory_space<vmem>>[vector<16xi32>, vector<16xi32>], vector<16xf32>, vector<16xi1>
      %get3A_58 = arith.index_cast %scan3A_20 : i32 to index
      %get3A_59 = arith.constant 48 : index
      %get3A_60 = tpu.vector_load %arg12[%get3A_58, %get3A_59] {strides = array<i32>} : memref<79x128xi32, #tpu.memory_space<vmem>>, vector<16xi32>,
      %broadcast_in_dim3A_61 = arith.constant true
      %broadcast_in_dim3A_62 = vector.broadcast %broadcast_in_dim3A_61 : i1 to vector<16xi1>
      %unique3A_63, %unique3A_64 = tpu.scan_count mask(%broadcast_in_dim3A_62 : vector<16xi1>) value(%get3A_60 : vector<16xi32>) : vector<16xi1>, vector<16xi32>
      %shift_right_logical3A_65 = arith.constant 7 : i32
      %shift_right_logical3A_66 = vector.broadcast %shift_right_logical3A_65 : i32 to vector<16xi32>
      %shift_right_logical3A_67 = arith.shrui %get3A_60, %shift_right_logical3A_66 : vector<16xi32>
      %and3A_68 = arith.constant 127 : i32
      %and3A_69 = vector.broadcast %and3A_68 : i32 to vector<16xi32>
      %and3A_70 = arith.andi %get3A_60, %and3A_69 : vector<16xi32>
      %convert_element_type3A_71 = arith.sitofp %unique3A_64 : vector<16xi32> to vector<16xf32>
      tpu.vector_store_idx %arg14[%shift_right_logical3A_67, %and3A_70], %convert_element_type3A_71 masked %unique3A_63 {add = true} : memref<80x128xf32, #tpu.memory_space<vmem>>[vector<16xi32>, vector<16xi32>], vector<16xf32>, vector<16xi1>
      %get3A_72 = arith.index_cast %scan3A_20 : i32 to index
      %get3A_73 = arith.constant 64 : index
      %get3A_74 = tpu.vector_load %arg12[%get3A_72, %get3A_73] {strides = array<i32>} : memref<79x128xi32, #tpu.memory_space<vmem>>, vector<16xi32>,
      %broadcast_in_dim3A_75 = arith.constant true
      %broadcast_in_dim3A_76 = vector.broadcast %broadcast_in_dim3A_75 : i1 to vector<16xi1>
      %unique3A_77, %unique3A_78 = tpu.scan_count mask(%broadcast_in_dim3A_76 : vector<16xi1>) value(%get3A_74 : vector<16xi32>) : vector<16xi1>, vector<16xi32>
      %shift_right_logical3A_79 = arith.constant 7 : i32
      %shift_right_logical3A_80 = vector.broadcast %shift_right_logical3A_79 : i32 to vector<16xi32>
      %shift_right_logical3A_81 = arith.shrui %get3A_74, %shift_right_logical3A_80 : vector<16xi32>
      %and3A_82 = arith.constant 127 : i32
      %and3A_83 = vector.broadcast %and3A_82 : i32 to vector<16xi32>
      %and3A_84 = arith.andi %get3A_74, %and3A_83 : vector<16xi32>
      %convert_element_type3A_85 = arith.sitofp %unique3A_78 : vector<16xi32> to vector<16xf32>
      tpu.vector_store_idx %arg14[%shift_right_logical3A_81, %and3A_84], %convert_element_type3A_85 masked %unique3A_77 {add = true} : memref<80x128xf32, #tpu.memory_space<vmem>>[vector<16xi32>, vector<16xi32>], vector<16xf32>, vector<16xi1>
      %get3A_86 = arith.index_cast %scan3A_20 : i32 to index
      %get3A_87 = arith.constant 80 : index
      %get3A_88 = tpu.vector_load %arg12[%get3A_86, %get3A_87] {strides = array<i32>} : memref<79x128xi32, #tpu.memory_space<vmem>>, vector<16xi32>,
      %broadcast_in_dim3A_89 = arith.constant true
      %broadcast_in_dim3A_90 = vector.broadcast %broadcast_in_dim3A_89 : i1 to vector<16xi1>
      %unique3A_91, %unique3A_92 = tpu.scan_count mask(%broadcast_in_dim3A_90 : vector<16xi1>) value(%get3A_88 : vector<16xi32>) : vector<16xi1>, vector<16xi32>
      %shift_right_logical3A_93 = arith.constant 7 : i32
      %shift_right_logical3A_94 = vector.broadcast %shift_right_logical3A_93 : i32 to vector<16xi32>
      %shift_right_logical3A_95 = arith.shrui %get3A_88, %shift_right_logical3A_94 : vector<16xi32>
      %and3A_96 = arith.constant 127 : i32
      %and3A_97 = vector.broadcast %and3A_96 : i32 to vector<16xi32>
      %and3A_98 = arith.andi %get3A_88, %and3A_97 : vector<16xi32>
      %convert_element_type3A_99 = arith.sitofp %unique3A_92 : vector<16xi32> to vector<16xf32>
      tpu.vector_store_idx %arg14[%shift_right_logical3A_95, %and3A_98], %convert_element_type3A_99 masked %unique3A_91 {add = true} : memref<80x128xf32, #tpu.memory_space<vmem>>[vector<16xi32>, vector<16xi32>], vector<16xf32>, vector<16xi1>
      %get3A_100 = arith.index_cast %scan3A_20 : i32 to index
      %get3A_101 = arith.constant 96 : index
      %get3A_102 = tpu.vector_load %arg12[%get3A_100, %get3A_101] {strides = array<i32>} : memref<79x128xi32, #tpu.memory_space<vmem>>, vector<16xi32>,
      %broadcast_in_dim3A_103 = arith.constant true
      %broadcast_in_dim3A_104 = vector.broadcast %broadcast_in_dim3A_103 : i1 to vector<16xi1>
      %unique3A_105, %unique3A_106 = tpu.scan_count mask(%broadcast_in_dim3A_104 : vector<16xi1>) value(%get3A_102 : vector<16xi32>) : vector<16xi1>, vector<16xi32>
      %shift_right_logical3A_107 = arith.constant 7 : i32
      %shift_right_logical3A_108 = vector.broadcast %shift_right_logical3A_107 : i32 to vector<16xi32>
      %shift_right_logical3A_109 = arith.shrui %get3A_102, %shift_right_logical3A_108 : vector<16xi32>
      %and3A_110 = arith.constant 127 : i32
      %and3A_111 = vector.broadcast %and3A_110 : i32 to vector<16xi32>
      %and3A_112 = arith.andi %get3A_102, %and3A_111 : vector<16xi32>
      %convert_element_type3A_113 = arith.sitofp %unique3A_106 : vector<16xi32> to vector<16xf32>
      tpu.vector_store_idx %arg14[%shift_right_logical3A_109, %and3A_112], %convert_element_type3A_113 masked %unique3A_105 {add = true} : memref<80x128xf32, #tpu.memory_space<vmem>>[vector<16xi32>, vector<16xi32>], vector<16xf32>, vector<16xi1>
      %get3A_114 = arith.index_cast %scan3A_20 : i32 to index
      %get3A_115 = arith.constant 112 : index
      %get3A_116 = tpu.vector_load %arg12[%get3A_114, %get3A_115] {strides = array<i32>} : memref<79x128xi32, #tpu.memory_space<vmem>>, vector<16xi32>,
      %broadcast_in_dim3A_117 = arith.constant true
      %broadcast_in_dim3A_118 = vector.broadcast %broadcast_in_dim3A_117 : i1 to vector<16xi1>
      %unique3A_119, %unique3A_120 = tpu.scan_count mask(%broadcast_in_dim3A_118 : vector<16xi1>) value(%get3A_116 : vector<16xi32>) : vector<16xi1>, vector<16xi32>
      %shift_right_logical3A_121 = arith.constant 7 : i32
      %shift_right_logical3A_122 = vector.broadcast %shift_right_logical3A_121 : i32 to vector<16xi32>
      %shift_right_logical3A_123 = arith.shrui %get3A_116, %shift_right_logical3A_122 : vector<16xi32>
      %and3A_124 = arith.constant 127 : i32
      %and3A_125 = vector.broadcast %and3A_124 : i32 to vector<16xi32>
      %and3A_126 = arith.andi %get3A_116, %and3A_125 : vector<16xi32>
      %convert_element_type3A_127 = arith.sitofp %unique3A_120 : vector<16xi32> to vector<16xf32>
      tpu.vector_store_idx %arg14[%shift_right_logical3A_123, %and3A_126], %convert_element_type3A_127 masked %unique3A_119 {add = true} : memref<80x128xf32, #tpu.memory_space<vmem>>[vector<16xi32>, vector<16xi32>], vector<16xf32>, vector<16xi1>
      "tpu.region"() ({
        %run_scoped3A = tpu.sem_alloc : memref<!tpu.dma_semaphore, #tpu.memory_space<semaphore_mem>>
        %dma_start3A = arith.constant 0 : i32
        %dma_start3A_128 = tpu.memref_slice %arg11[%scan3A_20, %dma_start3A] : memref<79x128xi32, #tpu.memory_space<vmem>> -> memref<1x128xi32, #tpu.memory_space<vmem>>
        %dma_start3A_129 = tpu.memref_squeeze %dma_start3A_128 : memref<1x128xi32, #tpu.memory_space<vmem>> -> memref<128xi32, #tpu.memory_space<vmem>>
        %dma_start3A_130 = arith.constant 0 : i32
        %dma_start3A_131 = arith.constant 0 : i32
        %dma_start3A_132 = tpu.memref_slice %arg2[%dma_start3A_130, %dma_start3A_131] : memref<10112x128xf32, #tpu.memory_space<hbm>> -> memref<10112x128xf32, #tpu.memory_space<hbm>>
        tpu.enqueue_indirect_dma source(%dma_start3A_132 : memref<10112x128xf32, #tpu.memory_space<hbm>>) target(%arg13 : memref<128x128xf32, #tpu.memory_space<vmem>>) offsets(%dma_start3A_129 : memref<128xi32, #tpu.memory_space<vmem>>) semaphore(%run_scoped3A : memref<!tpu.dma_semaphore, #tpu.memory_space<semaphore_mem>>)
        %dma_wait3A = arith.constant 0 : i32
        %dma_wait3A_133 = tpu.memref_slice %arg11[%scan3A_20, %dma_wait3A] : memref<79x128xi32, #tpu.memory_space<vmem>> -> memref<1x128xi32, #tpu.memory_space<vmem>>
        %dma_wait3A_134 = tpu.memref_squeeze %dma_wait3A_133 : memref<1x128xi32, #tpu.memory_space<vmem>> -> memref<128xi32, #tpu.memory_space<vmem>>
        %dma_wait3A_135 = arith.constant 0 : i32
        %dma_wait3A_136 = arith.constant 0 : i32
        %dma_wait3A_137 = tpu.memref_slice %arg2[%dma_wait3A_135, %dma_wait3A_136] : memref<10112x128xf32, #tpu.memory_space<hbm>> -> memref<10112x128xf32, #tpu.memory_space<hbm>>
        tpu.wait_indirect_dma semaphore(%run_scoped3A : memref<!tpu.dma_semaphore, #tpu.memory_space<semaphore_mem>>) src(%dma_wait3A_137 : memref<10112x128xf32, #tpu.memory_space<hbm>>) dst(%arg13 : memref<128x128xf32, #tpu.memory_space<vmem>>)
        tpu.yield
      }) : () -> ()
      "tpu.region"() ({
        %run_scoped3A = tpu.sem_alloc : memref<!tpu.dma_semaphore, #tpu.memory_space<semaphore_mem>>
        %dma_start3A = arith.constant 0 : i32
        %dma_start3A_128 = tpu.memref_slice %arg12[%scan3A_20, %dma_start3A] : memref<79x128xi32, #tpu.memory_space<vmem>> -> memref<1x128xi32, #tpu.memory_space<vmem>>
        %dma_start3A_129 = tpu.memref_squeeze %dma_start3A_128 : memref<1x128xi32, #tpu.memory_space<vmem>> -> memref<128xi32, #tpu.memory_space<vmem>>
        %dma_start3A_130 = arith.constant 0 : i32
        %dma_start3A_131 = arith.constant 0 : i32
        %dma_start3A_132 = tpu.memref_slice %arg9[%dma_start3A_130, %dma_start3A_131] : memref<10112x128xf32, #tpu.memory_space<vmem_shared>> -> memref<10112x128xf32, #tpu.memory_space<vmem_shared>>
        tpu.enqueue_indirect_dma source(%arg13 : memref<128x128xf32, #tpu.memory_space<vmem>>) target(%dma_start3A_132 : memref<10112x128xf32, #tpu.memory_space<vmem_shared>>) offsets(%dma_start3A_129 : memref<128xi32, #tpu.memory_space<vmem>>) semaphore(%run_scoped3A : memref<!tpu.dma_semaphore, #tpu.memory_space<semaphore_mem>>) {add = true}
        %dma_wait3A = arith.constant 0 : i32
        %dma_wait3A_133 = tpu.memref_slice %arg12[%scan3A_20, %dma_wait3A] : memref<79x128xi32, #tpu.memory_space<vmem>> -> memref<1x128xi32, #tpu.memory_space<vmem>>
        %dma_wait3A_134 = tpu.memref_squeeze %dma_wait3A_133 : memref<1x128xi32, #tpu.memory_space<vmem>> -> memref<128xi32, #tpu.memory_space<vmem>>
        %dma_wait3A_135 = arith.constant 0 : i32
        %dma_wait3A_136 = arith.constant 0 : i32
        %dma_wait3A_137 = tpu.memref_slice %arg9[%dma_wait3A_135, %dma_wait3A_136] : memref<10112x128xf32, #tpu.memory_space<vmem_shared>> -> memref<10112x128xf32, #tpu.memory_space<vmem_shared>>
        tpu.wait_indirect_dma semaphore(%run_scoped3A : memref<!tpu.dma_semaphore, #tpu.memory_space<semaphore_mem>>) src(%arg13 : memref<128x128xf32, #tpu.memory_space<vmem>>) dst(%dma_wait3A_137 : memref<10112x128xf32, #tpu.memory_space<vmem_shared>>)
        tpu.yield
      }) : () -> ()
    }
    %scan3A_9 = arith.constant 79 : i32
    "tpu.region"() ({
      %run_scoped3A = tpu.sem_alloc : memref<!tpu.dma_semaphore, #tpu.memory_space<semaphore_mem>>
      %dma_start3A = arith.constant 0 : i32
      %dma_start3A_20 = arith.constant 0 : i32
      %dma_start3A_21 = tpu.memref_slice %arg10[%dma_start3A, %dma_start3A_20] : memref<80x128xf32, #tpu.memory_space<vmem_shared>> -> memref<80x128xf32, #tpu.memory_space<vmem_shared>>
      tpu.enqueue_indirect_dma source(%arg14 : memref<80x128xf32, #tpu.memory_space<vmem>>) target(%dma_start3A_21 : memref<80x128xf32, #tpu.memory_space<vmem_shared>>) offsets(%arg15 : memref<80xi32, #tpu.memory_space<vmem>>) semaphore(%run_scoped3A : memref<!tpu.dma_semaphore, #tpu.memory_space<semaphore_mem>>) {add = true}
      %dma_wait3A = arith.constant 0 : i32
      %dma_wait3A_22 = arith.constant 0 : i32
      %dma_wait3A_23 = tpu.memref_slice %arg10[%dma_wait3A, %dma_wait3A_22] : memref<80x128xf32, #tpu.memory_space<vmem_shared>> -> memref<80x128xf32, #tpu.memory_space<vmem_shared>>
      tpu.wait_indirect_dma semaphore(%run_scoped3A : memref<!tpu.dma_semaphore, #tpu.memory_space<semaphore_mem>>) src(%arg14 : memref<80x128xf32, #tpu.memory_space<vmem>>) dst(%dma_wait3A_23 : memref<80x128xf32, #tpu.memory_space<vmem_shared>>)
      tpu.yield
    }) : () -> ()
    %barrier3A_10 = arith.constant 0 : index
    tpu.barrier barrier_id(%barrier3A_10)
    %mul3A_11 = arith.constant 632 : i32
    %mul3A_12 = arith.muli %arg1, %mul3A_11 : i32
    %mul3A_13 = arith.constant 632 : i32
    %mul3A_14 = arith.muli %arg1, %mul3A_13 : i32
    "tpu.region"() ({
      %run_scoped3A = tpu.sem_alloc : memref<!tpu.dma_semaphore, #tpu.memory_space<semaphore_mem>>
      %dma_start3A = arith.constant 0 : i32
      %dma_start3A_20 = tpu.memref_slice %arg7[%arg0, %mul3A_14, %dma_start3A] : memref<2x10112x128xf32, #tpu.memory_space<hbm>> -> memref<1x632x128xf32, #tpu.memory_space<hbm>>
      %dma_start3A_21 = tpu.memref_squeeze %dma_start3A_20 : memref<1x632x128xf32, #tpu.memory_space<hbm>> -> memref<632x128xf32, #tpu.memory_space<hbm>>
      %dma_start3A_22 = arith.constant 0 : i32
      %dma_start3A_23 = tpu.memref_slice %arg9[%mul3A_12, %dma_start3A_22] : memref<10112x128xf32, #tpu.memory_space<vmem_shared>> -> memref<632x128xf32, #tpu.memory_space<vmem_shared>>
      tpu.enqueue_dma source(%dma_start3A_23 : memref<632x128xf32, #tpu.memory_space<vmem_shared>>) target(%dma_start3A_21 : memref<632x128xf32, #tpu.memory_space<hbm>>) target_semaphore(%run_scoped3A : memref<!tpu.dma_semaphore, #tpu.memory_space<semaphore_mem>>)
      %dma_wait3A = arith.constant 0 : i32
      %dma_wait3A_24 = tpu.memref_slice %arg7[%arg0, %mul3A_14, %dma_wait3A] : memref<2x10112x128xf32, #tpu.memory_space<hbm>> -> memref<1x632x128xf32, #tpu.memory_space<hbm>>
      %dma_wait3A_25 = tpu.memref_squeeze %dma_wait3A_24 : memref<1x632x128xf32, #tpu.memory_space<hbm>> -> memref<632x128xf32, #tpu.memory_space<hbm>>
      %dma_wait3A_26 = arith.constant 0 : i32
      %dma_wait3A_27 = tpu.memref_slice %arg9[%mul3A_12, %dma_wait3A_26] : memref<10112x128xf32, #tpu.memory_space<vmem_shared>> -> memref<632x128xf32, #tpu.memory_space<vmem_shared>>
      tpu.wait_dma2 semaphore(%run_scoped3A : memref<!tpu.dma_semaphore, #tpu.memory_space<semaphore_mem>>) src(%dma_wait3A_27 : memref<632x128xf32, #tpu.memory_space<vmem_shared>>) dst(%dma_wait3A_25 : memref<632x128xf32, #tpu.memory_space<hbm>>)
      tpu.yield
    }) : () -> ()
    %eq3A_15 = arith.constant 0 : i32
    %eq3A_16 = arith.cmpi eq, %arg1, %eq3A_15 : i32
    %convert_element_type3A_17 = arith.extui %eq3A_16 : i1 to i32
    %cond3A_18 = arith.constant 0 : i32
    %cond3A_19 = arith.cmpi ne, %convert_element_type3A_17, %cond3A_18 : i32
    scf.if %cond3A_19 {
      "tpu.region"() ({
        %run_scoped3A = tpu.sem_alloc : memref<!tpu.dma_semaphore, #tpu.memory_space<semaphore_mem>>
        %dma_start3A = arith.constant 0 : i32
        %dma_start3A_20 = arith.constant 0 : i32
        %dma_start3A_21 = tpu.memref_slice %arg8[%arg0, %dma_start3A, %dma_start3A_20] : memref<2x80x128xf32, #tpu.memory_space<hbm>> -> memref<1x80x128xf32, #tpu.memory_space<hbm>>
        %dma_start3A_22 = tpu.memref_squeeze %dma_start3A_21 : memref<1x80x128xf32, #tpu.memory_space<hbm>> -> memref<80x128xf32, #tpu.memory_space<hbm>>
        tpu.enqueue_dma source(%arg10 : memref<80x128xf32, #tpu.memory_space<vmem_shared>>) target(%dma_start3A_22 : memref<80x128xf32, #tpu.memory_space<hbm>>) target_semaphore(%run_scoped3A : memref<!tpu.dma_semaphore, #tpu.memory_space<semaphore_mem>>)
        %dma_wait3A = arith.constant 0 : i32
        %dma_wait3A_23 = arith.constant 0 : i32
        %dma_wait3A_24 = tpu.memref_slice %arg8[%arg0, %dma_wait3A, %dma_wait3A_23] : memref<2x80x128xf32, #tpu.memory_space<hbm>> -> memref<1x80x128xf32, #tpu.memory_space<hbm>>
        %dma_wait3A_25 = tpu.memref_squeeze %dma_wait3A_24 : memref<1x80x128xf32, #tpu.memory_space<hbm>> -> memref<80x128xf32, #tpu.memory_space<hbm>>
        tpu.wait_dma2 semaphore(%run_scoped3A : memref<!tpu.dma_semaphore, #tpu.memory_space<semaphore_mem>>) src(%arg10 : memref<80x128xf32, #tpu.memory_space<vmem_shared>>) dst(%dma_wait3A_25 : memref<80x128xf32, #tpu.memory_space<hbm>>)
        tpu.yield
      }) : () -> ()
    } else {
    }
    return
  }
}

#map = affine_map<(d0, d1) -> (0, 0)>
#map1 = affine_map<(d0, d1) -> (0, 0, 0)>
#map2 = affine_map<(d0, d1) -> (0)>
module attributes {stable_mosaic.version = 14 : i64} {
  func.func @_seg_sum_body(%arg0: i32, %arg1: i32, %arg2: memref<10112x128xf32, #tpu.memory_space<hbm>>, %arg3: memref<32x79x128xi32, #tpu.memory_space<hbm>>, %arg4: memref<32x79x128xi32, #tpu.memory_space<hbm>>, %arg5: memref<632x128xf32, #tpu.memory_space<hbm>>, %arg6: memref<80xi32, #tpu.memory_space<hbm>>, %arg7: memref<2x10112x128xf32, #tpu.memory_space<hbm>>, %arg8: memref<2x80x128xf32, #tpu.memory_space<hbm>>, %arg9: memref<10112x128xf32, #tpu.memory_space<vmem_shared>>, %arg10: memref<80x128xf32, #tpu.memory_space<vmem_shared>>, %arg11: memref<79x128xi32, #tpu.memory_space<vmem>>, %arg12: memref<79x128xi32, #tpu.memory_space<vmem>>, %arg13: memref<128x128xf32, #tpu.memory_space<vmem>>, %arg14: memref<80x128xf32, #tpu.memory_space<vmem>>, %arg15: memref<80xi32, #tpu.memory_space<vmem>>) attributes {dimension_semantics = [#tpu.dimension_semantics<core_parallel>, #tpu.dimension_semantics<subcore_parallel>], iteration_bounds = array<i64: 2, 16>, scalar_prefetch = 0 : i64, scratch_operands = 7 : i64, tpu.core_type = #tpu.core_type<sc_vector_subcore>, window_params = [{transform_indices = #map}, {transform_indices = #map1}, {transform_indices = #map1}, {transform_indices = #map}, {transform_indices = #map2}, {transform_indices = #map1}, {transform_indices = #map1}]} {
    %mul3A = arith.constant 2 : i32
    %mul3A_0 = arith.muli %arg1, %mul3A : i32
    %add3A = arith.addi %mul3A_0, %arg0 : i32
    %mul3A_1 = arith.constant 632 : i32
    %mul3A_2 = arith.muli %arg1, %mul3A_1 : i32
    "tpu.region"() ({
      %run_scoped3A = tpu.sem_alloc : memref<!tpu.dma_semaphore, #tpu.memory_space<semaphore_mem>>
      %dma_start3A = arith.constant 0 : i32
      %dma_start3A_20 = tpu.memref_slice %arg9[%mul3A_2, %dma_start3A] : memref<10112x128xf32, #tpu.memory_space<vmem_shared>> -> memref<632x128xf32, #tpu.memory_space<vmem_shared>>
      tpu.enqueue_dma source(%arg5 : memref<632x128xf32, #tpu.memory_space<hbm>>) target(%dma_start3A_20 : memref<632x128xf32, #tpu.memory_space<vmem_shared>>) target_semaphore(%run_scoped3A : memref<!tpu.dma_semaphore, #tpu.memory_space<semaphore_mem>>)
      %dma_wait3A = arith.constant 0 : i32
      %dma_wait3A_21 = tpu.memref_slice %arg9[%mul3A_2, %dma_wait3A] : memref<10112x128xf32, #tpu.memory_space<vmem_shared>> -> memref<632x128xf32, #tpu.memory_space<vmem_shared>>
      tpu.wait_dma2 semaphore(%run_scoped3A : memref<!tpu.dma_semaphore, #tpu.memory_space<semaphore_mem>>) src(%arg5 : memref<632x128xf32, #tpu.memory_space<hbm>>) dst(%dma_wait3A_21 : memref<632x128xf32, #tpu.memory_space<vmem_shared>>)
      tpu.yield
    }) : () -> ()
    "tpu.region"() ({
      %run_scoped3A = tpu.sem_alloc : memref<!tpu.dma_semaphore, #tpu.memory_space<semaphore_mem>>
      %dma_start3A = arith.constant 0 : i32
      %dma_start3A_20 = arith.constant 0 : i32
      %dma_start3A_21 = tpu.memref_slice %arg5[%dma_start3A, %dma_start3A_20] : memref<632x128xf32, #tpu.memory_space<hbm>> -> memref<80x128xf32, #tpu.memory_space<hbm>>
      %dma_start3A_22 = arith.constant 0 : i32
      %dma_start3A_23 = arith.constant 0 : i32
      %dma_start3A_24 = tpu.memref_slice %arg5[%dma_start3A_22, %dma_start3A_23] : memref<632x128xf32, #tpu.memory_space<hbm>> -> memref<80x128xf32, #tpu.memory_space<hbm>>
      tpu.enqueue_dma source(%dma_start3A_24 : memref<80x128xf32, #tpu.memory_space<hbm>>) target(%arg14 : memref<80x128xf32, #tpu.memory_space<vmem>>) target_semaphore(%run_scoped3A : memref<!tpu.dma_semaphore, #tpu.memory_space<semaphore_mem>>)
      %dma_wait3A = arith.constant 0 : i32
      %dma_wait3A_25 = arith.constant 0 : i32
      %dma_wait3A_26 = tpu.memref_slice %arg5[%dma_wait3A, %dma_wait3A_25] : memref<632x128xf32, #tpu.memory_space<hbm>> -> memref<80x128xf32, #tpu.memory_space<hbm>>
      %dma_wait3A_27 = arith.constant 0 : i32
      %dma_wait3A_28 = arith.constant 0 : i32
      %dma_wait3A_29 = tpu.memref_slice %arg5[%dma_wait3A_27, %dma_wait3A_28] : memref<632x128xf32, #tpu.memory_space<hbm>> -> memref<80x128xf32, #tpu.memory_space<hbm>>
      tpu.wait_dma2 semaphore(%run_scoped3A : memref<!tpu.dma_semaphore, #tpu.memory_space<semaphore_mem>>) src(%dma_wait3A_29 : memref<80x128xf32, #tpu.memory_space<hbm>>) dst(%arg14 : memref<80x128xf32, #tpu.memory_space<vmem>>)
      tpu.yield
    }) : () -> ()
    %eq3A = arith.constant 0 : i32
    %eq3A_3 = arith.cmpi eq, %arg1, %eq3A : i32
    %convert_element_type3A = arith.extui %eq3A_3 : i1 to i32
    %cond3A = arith.constant 0 : i32
    %cond3A_4 = arith.cmpi ne, %convert_element_type3A, %cond3A : i32
    scf.if %cond3A_4 {
      "tpu.region"() ({
        %run_scoped3A = tpu.sem_alloc : memref<!tpu.dma_semaphore, #tpu.memory_space<semaphore_mem>>
        %dma_start3A = arith.constant 0 : i32
        %dma_start3A_20 = arith.constant 0 : i32
        %dma_start3A_21 = tpu.memref_slice %arg5[%dma_start3A, %dma_start3A_20] : memref<632x128xf32, #tpu.memory_space<hbm>> -> memref<80x128xf32, #tpu.memory_space<hbm>>
        tpu.enqueue_dma source(%dma_start3A_21 : memref<80x128xf32, #tpu.memory_space<hbm>>) target(%arg10 : memref<80x128xf32, #tpu.memory_space<vmem_shared>>) target_semaphore(%run_scoped3A : memref<!tpu.dma_semaphore, #tpu.memory_space<semaphore_mem>>)
        %dma_wait3A = arith.constant 0 : i32
        %dma_wait3A_22 = arith.constant 0 : i32
        %dma_wait3A_23 = tpu.memref_slice %arg5[%dma_wait3A, %dma_wait3A_22] : memref<632x128xf32, #tpu.memory_space<hbm>> -> memref<80x128xf32, #tpu.memory_space<hbm>>
        tpu.wait_dma2 semaphore(%run_scoped3A : memref<!tpu.dma_semaphore, #tpu.memory_space<semaphore_mem>>) src(%dma_wait3A_23 : memref<80x128xf32, #tpu.memory_space<hbm>>) dst(%arg10 : memref<80x128xf32, #tpu.memory_space<vmem_shared>>)
        tpu.yield
      }) : () -> ()
    } else {
    }
    "tpu.region"() ({
      %run_scoped3A = tpu.sem_alloc : memref<!tpu.dma_semaphore, #tpu.memory_space<semaphore_mem>>
      %dma_start3A = arith.constant 0 : i32
      %dma_start3A_20 = arith.constant 0 : i32
      %dma_start3A_21 = tpu.memref_slice %arg3[%add3A, %dma_start3A, %dma_start3A_20] : memref<32x79x128xi32, #tpu.memory_space<hbm>> -> memref<1x79x128xi32, #tpu.memory_space<hbm>>
      %dma_start3A_22 = tpu.memref_squeeze %dma_start3A_21 : memref<1x79x128xi32, #tpu.memory_space<hbm>> -> memref<79x128xi32, #tpu.memory_space<hbm>>
      %dma_start3A_23 = arith.constant 0 : i32
      %dma_start3A_24 = arith.constant 0 : i32
      %dma_start3A_25 = tpu.memref_slice %arg3[%add3A, %dma_start3A_23, %dma_start3A_24] : memref<32x79x128xi32, #tpu.memory_space<hbm>> -> memref<1x79x128xi32, #tpu.memory_space<hbm>>
      %dma_start3A_26 = tpu.memref_squeeze %dma_start3A_25 : memref<1x79x128xi32, #tpu.memory_space<hbm>> -> memref<79x128xi32, #tpu.memory_space<hbm>>
      tpu.enqueue_dma source(%dma_start3A_26 : memref<79x128xi32, #tpu.memory_space<hbm>>) target(%arg11 : memref<79x128xi32, #tpu.memory_space<vmem>>) target_semaphore(%run_scoped3A : memref<!tpu.dma_semaphore, #tpu.memory_space<semaphore_mem>>)
      %dma_wait3A = arith.constant 0 : i32
      %dma_wait3A_27 = arith.constant 0 : i32
      %dma_wait3A_28 = tpu.memref_slice %arg3[%add3A, %dma_wait3A, %dma_wait3A_27] : memref<32x79x128xi32, #tpu.memory_space<hbm>> -> memref<1x79x128xi32, #tpu.memory_space<hbm>>
      %dma_wait3A_29 = tpu.memref_squeeze %dma_wait3A_28 : memref<1x79x128xi32, #tpu.memory_space<hbm>> -> memref<79x128xi32, #tpu.memory_space<hbm>>
      %dma_wait3A_30 = arith.constant 0 : i32
      %dma_wait3A_31 = arith.constant 0 : i32
      %dma_wait3A_32 = tpu.memref_slice %arg3[%add3A, %dma_wait3A_30, %dma_wait3A_31] : memref<32x79x128xi32, #tpu.memory_space<hbm>> -> memref<1x79x128xi32, #tpu.memory_space<hbm>>
      %dma_wait3A_33 = tpu.memref_squeeze %dma_wait3A_32 : memref<1x79x128xi32, #tpu.memory_space<hbm>> -> memref<79x128xi32, #tpu.memory_space<hbm>>
      tpu.wait_dma2 semaphore(%run_scoped3A : memref<!tpu.dma_semaphore, #tpu.memory_space<semaphore_mem>>) src(%dma_wait3A_33 : memref<79x128xi32, #tpu.memory_space<hbm>>) dst(%arg11 : memref<79x128xi32, #tpu.memory_space<vmem>>)
      tpu.yield
    }) : () -> ()
    "tpu.region"() ({
      %run_scoped3A = tpu.sem_alloc : memref<!tpu.dma_semaphore, #tpu.memory_space<semaphore_mem>>
      %dma_start3A = arith.constant 0 : i32
      %dma_start3A_20 = arith.constant 0 : i32
      %dma_start3A_21 = tpu.memref_slice %arg4[%add3A, %dma_start3A, %dma_start3A_20] : memref<32x79x128xi32, #tpu.memory_space<hbm>> -> memref<1x79x128xi32, #tpu.memory_space<hbm>>
      %dma_start3A_22 = tpu.memref_squeeze %dma_start3A_21 : memref<1x79x128xi32, #tpu.memory_space<hbm>> -> memref<79x128xi32, #tpu.memory_space<hbm>>
      %dma_start3A_23 = arith.constant 0 : i32
      %dma_start3A_24 = arith.constant 0 : i32
      %dma_start3A_25 = tpu.memref_slice %arg4[%add3A, %dma_start3A_23, %dma_start3A_24] : memref<32x79x128xi32, #tpu.memory_space<hbm>> -> memref<1x79x128xi32, #tpu.memory_space<hbm>>
      %dma_start3A_26 = tpu.memref_squeeze %dma_start3A_25 : memref<1x79x128xi32, #tpu.memory_space<hbm>> -> memref<79x128xi32, #tpu.memory_space<hbm>>
      tpu.enqueue_dma source(%dma_start3A_26 : memref<79x128xi32, #tpu.memory_space<hbm>>) target(%arg12 : memref<79x128xi32, #tpu.memory_space<vmem>>) target_semaphore(%run_scoped3A : memref<!tpu.dma_semaphore, #tpu.memory_space<semaphore_mem>>)
      %dma_wait3A = arith.constant 0 : i32
      %dma_wait3A_27 = arith.constant 0 : i32
      %dma_wait3A_28 = tpu.memref_slice %arg4[%add3A, %dma_wait3A, %dma_wait3A_27] : memref<32x79x128xi32, #tpu.memory_space<hbm>> -> memref<1x79x128xi32, #tpu.memory_space<hbm>>
      %dma_wait3A_29 = tpu.memref_squeeze %dma_wait3A_28 : memref<1x79x128xi32, #tpu.memory_space<hbm>> -> memref<79x128xi32, #tpu.memory_space<hbm>>
      %dma_wait3A_30 = arith.constant 0 : i32
      %dma_wait3A_31 = arith.constant 0 : i32
      %dma_wait3A_32 = tpu.memref_slice %arg4[%add3A, %dma_wait3A_30, %dma_wait3A_31] : memref<32x79x128xi32, #tpu.memory_space<hbm>> -> memref<1x79x128xi32, #tpu.memory_space<hbm>>
      %dma_wait3A_33 = tpu.memref_squeeze %dma_wait3A_32 : memref<1x79x128xi32, #tpu.memory_space<hbm>> -> memref<79x128xi32, #tpu.memory_space<hbm>>
      tpu.wait_dma2 semaphore(%run_scoped3A : memref<!tpu.dma_semaphore, #tpu.memory_space<semaphore_mem>>) src(%dma_wait3A_33 : memref<79x128xi32, #tpu.memory_space<hbm>>) dst(%arg12 : memref<79x128xi32, #tpu.memory_space<vmem>>)
      tpu.yield
    }) : () -> ()
    "tpu.region"() ({
      %run_scoped3A = tpu.sem_alloc : memref<!tpu.dma_semaphore, #tpu.memory_space<semaphore_mem>>
      tpu.enqueue_dma source(%arg6 : memref<80xi32, #tpu.memory_space<hbm>>) target(%arg15 : memref<80xi32, #tpu.memory_space<vmem>>) target_semaphore(%run_scoped3A : memref<!tpu.dma_semaphore, #tpu.memory_space<semaphore_mem>>)
      tpu.wait_dma2 semaphore(%run_scoped3A : memref<!tpu.dma_semaphore, #tpu.memory_space<semaphore_mem>>) src(%arg6 : memref<80xi32, #tpu.memory_space<hbm>>) dst(%arg15 : memref<80xi32, #tpu.memory_space<vmem>>)
      tpu.yield
    }) : () -> ()
    %barrier3A = arith.constant 0 : index
    tpu.barrier barrier_id(%barrier3A)
    %scan3A = arith.constant 0 : i32
    %scan3A_5 = arith.constant 0 : i32
    %scan3A_6 = arith.constant 79 : i32
    %scan3A_7 = arith.addi %scan3A_5, %scan3A_6 : i32
    %scan3A_8 = arith.constant 1 : i32
    scf.for %scan3A_20 = %scan3A_5 to %scan3A_7 step %scan3A_8  : i32 {
      %get3A = arith.index_cast %scan3A_20 : i32 to index
      %get3A_21 = arith.constant 0 : index
      %get3A_22 = tpu.vector_load %arg12[%get3A, %get3A_21] {strides = array<i32>} : memref<79x128xi32, #tpu.memory_space<vmem>>, vector<16xi32>,
      %broadcast_in_dim3A = arith.constant true
      %broadcast_in_dim3A_23 = vector.broadcast %broadcast_in_dim3A : i1 to vector<16xi1>
      %unique3A, %unique3A_24 = tpu.scan_count mask(%broadcast_in_dim3A_23 : vector<16xi1>) value(%get3A_22 : vector<16xi32>) : vector<16xi1>, vector<16xi32>
      %shift_right_logical3A = arith.constant 7 : i32
      %shift_right_logical3A_25 = vector.broadcast %shift_right_logical3A : i32 to vector<16xi32>
      %shift_right_logical3A_26 = arith.shrui %get3A_22, %shift_right_logical3A_25 : vector<16xi32>
      %and3A = arith.constant 127 : i32
      %and3A_27 = vector.broadcast %and3A : i32 to vector<16xi32>
      %and3A_28 = arith.andi %get3A_22, %and3A_27 : vector<16xi32>
      %convert_element_type3A_29 = arith.sitofp %unique3A_24 : vector<16xi32> to vector<16xf32>
      tpu.vector_store_idx %arg14[%shift_right_logical3A_26, %and3A_28], %convert_element_type3A_29 masked %unique3A {add = true} : memref<80x128xf32, #tpu.memory_space<vmem>>[vector<16xi32>, vector<16xi32>], vector<16xf32>, vector<16xi1>
      %get3A_30 = arith.index_cast %scan3A_20 : i32 to index
      %get3A_31 = arith.constant 16 : index
      %get3A_32 = tpu.vector_load %arg12[%get3A_30, %get3A_31] {strides = array<i32>} : memref<79x128xi32, #tpu.memory_space<vmem>>, vector<16xi32>,
      %broadcast_in_dim3A_33 = arith.constant true
      %broadcast_in_dim3A_34 = vector.broadcast %broadcast_in_dim3A_33 : i1 to vector<16xi1>
      %unique3A_35, %unique3A_36 = tpu.scan_count mask(%broadcast_in_dim3A_34 : vector<16xi1>) value(%get3A_32 : vector<16xi32>) : vector<16xi1>, vector<16xi32>
      %shift_right_logical3A_37 = arith.constant 7 : i32
      %shift_right_logical3A_38 = vector.broadcast %shift_right_logical3A_37 : i32 to vector<16xi32>
      %shift_right_logical3A_39 = arith.shrui %get3A_32, %shift_right_logical3A_38 : vector<16xi32>
      %and3A_40 = arith.constant 127 : i32
      %and3A_41 = vector.broadcast %and3A_40 : i32 to vector<16xi32>
      %and3A_42 = arith.andi %get3A_32, %and3A_41 : vector<16xi32>
      %convert_element_type3A_43 = arith.sitofp %unique3A_36 : vector<16xi32> to vector<16xf32>
      tpu.vector_store_idx %arg14[%shift_right_logical3A_39, %and3A_42], %convert_element_type3A_43 masked %unique3A_35 {add = true} : memref<80x128xf32, #tpu.memory_space<vmem>>[vector<16xi32>, vector<16xi32>], vector<16xf32>, vector<16xi1>
      %get3A_44 = arith.index_cast %scan3A_20 : i32 to index
      %get3A_45 = arith.constant 32 : index
      %get3A_46 = tpu.vector_load %arg12[%get3A_44, %get3A_45] {strides = array<i32>} : memref<79x128xi32, #tpu.memory_space<vmem>>, vector<16xi32>,
      %broadcast_in_dim3A_47 = arith.constant true
      %broadcast_in_dim3A_48 = vector.broadcast %broadcast_in_dim3A_47 : i1 to vector<16xi1>
      %unique3A_49, %unique3A_50 = tpu.scan_count mask(%broadcast_in_dim3A_48 : vector<16xi1>) value(%get3A_46 : vector<16xi32>) : vector<16xi1>, vector<16xi32>
      %shift_right_logical3A_51 = arith.constant 7 : i32
      %shift_right_logical3A_52 = vector.broadcast %shift_right_logical3A_51 : i32 to vector<16xi32>
      %shift_right_logical3A_53 = arith.shrui %get3A_46, %shift_right_logical3A_52 : vector<16xi32>
      %and3A_54 = arith.constant 127 : i32
      %and3A_55 = vector.broadcast %and3A_54 : i32 to vector<16xi32>
      %and3A_56 = arith.andi %get3A_46, %and3A_55 : vector<16xi32>
      %convert_element_type3A_57 = arith.sitofp %unique3A_50 : vector<16xi32> to vector<16xf32>
      tpu.vector_store_idx %arg14[%shift_right_logical3A_53, %and3A_56], %convert_element_type3A_57 masked %unique3A_49 {add = true} : memref<80x128xf32, #tpu.memory_space<vmem>>[vector<16xi32>, vector<16xi32>], vector<16xf32>, vector<16xi1>
      %get3A_58 = arith.index_cast %scan3A_20 : i32 to index
      %get3A_59 = arith.constant 48 : index
      %get3A_60 = tpu.vector_load %arg12[%get3A_58, %get3A_59] {strides = array<i32>} : memref<79x128xi32, #tpu.memory_space<vmem>>, vector<16xi32>,
      %broadcast_in_dim3A_61 = arith.constant true
      %broadcast_in_dim3A_62 = vector.broadcast %broadcast_in_dim3A_61 : i1 to vector<16xi1>
      %unique3A_63, %unique3A_64 = tpu.scan_count mask(%broadcast_in_dim3A_62 : vector<16xi1>) value(%get3A_60 : vector<16xi32>) : vector<16xi1>, vector<16xi32>
      %shift_right_logical3A_65 = arith.constant 7 : i32
      %shift_right_logical3A_66 = vector.broadcast %shift_right_logical3A_65 : i32 to vector<16xi32>
      %shift_right_logical3A_67 = arith.shrui %get3A_60, %shift_right_logical3A_66 : vector<16xi32>
      %and3A_68 = arith.constant 127 : i32
      %and3A_69 = vector.broadcast %and3A_68 : i32 to vector<16xi32>
      %and3A_70 = arith.andi %get3A_60, %and3A_69 : vector<16xi32>
      %convert_element_type3A_71 = arith.sitofp %unique3A_64 : vector<16xi32> to vector<16xf32>
      tpu.vector_store_idx %arg14[%shift_right_logical3A_67, %and3A_70], %convert_element_type3A_71 masked %unique3A_63 {add = true} : memref<80x128xf32, #tpu.memory_space<vmem>>[vector<16xi32>, vector<16xi32>], vector<16xf32>, vector<16xi1>
      %get3A_72 = arith.index_cast %scan3A_20 : i32 to index
      %get3A_73 = arith.constant 64 : index
      %get3A_74 = tpu.vector_load %arg12[%get3A_72, %get3A_73] {strides = array<i32>} : memref<79x128xi32, #tpu.memory_space<vmem>>, vector<16xi32>,
      %broadcast_in_dim3A_75 = arith.constant true
      %broadcast_in_dim3A_76 = vector.broadcast %broadcast_in_dim3A_75 : i1 to vector<16xi1>
      %unique3A_77, %unique3A_78 = tpu.scan_count mask(%broadcast_in_dim3A_76 : vector<16xi1>) value(%get3A_74 : vector<16xi32>) : vector<16xi1>, vector<16xi32>
      %shift_right_logical3A_79 = arith.constant 7 : i32
      %shift_right_logical3A_80 = vector.broadcast %shift_right_logical3A_79 : i32 to vector<16xi32>
      %shift_right_logical3A_81 = arith.shrui %get3A_74, %shift_right_logical3A_80 : vector<16xi32>
      %and3A_82 = arith.constant 127 : i32
      %and3A_83 = vector.broadcast %and3A_82 : i32 to vector<16xi32>
      %and3A_84 = arith.andi %get3A_74, %and3A_83 : vector<16xi32>
      %convert_element_type3A_85 = arith.sitofp %unique3A_78 : vector<16xi32> to vector<16xf32>
      tpu.vector_store_idx %arg14[%shift_right_logical3A_81, %and3A_84], %convert_element_type3A_85 masked %unique3A_77 {add = true} : memref<80x128xf32, #tpu.memory_space<vmem>>[vector<16xi32>, vector<16xi32>], vector<16xf32>, vector<16xi1>
      %get3A_86 = arith.index_cast %scan3A_20 : i32 to index
      %get3A_87 = arith.constant 80 : index
      %get3A_88 = tpu.vector_load %arg12[%get3A_86, %get3A_87] {strides = array<i32>} : memref<79x128xi32, #tpu.memory_space<vmem>>, vector<16xi32>,
      %broadcast_in_dim3A_89 = arith.constant true
      %broadcast_in_dim3A_90 = vector.broadcast %broadcast_in_dim3A_89 : i1 to vector<16xi1>
      %unique3A_91, %unique3A_92 = tpu.scan_count mask(%broadcast_in_dim3A_90 : vector<16xi1>) value(%get3A_88 : vector<16xi32>) : vector<16xi1>, vector<16xi32>
      %shift_right_logical3A_93 = arith.constant 7 : i32
      %shift_right_logical3A_94 = vector.broadcast %shift_right_logical3A_93 : i32 to vector<16xi32>
      %shift_right_logical3A_95 = arith.shrui %get3A_88, %shift_right_logical3A_94 : vector<16xi32>
      %and3A_96 = arith.constant 127 : i32
      %and3A_97 = vector.broadcast %and3A_96 : i32 to vector<16xi32>
      %and3A_98 = arith.andi %get3A_88, %and3A_97 : vector<16xi32>
      %convert_element_type3A_99 = arith.sitofp %unique3A_92 : vector<16xi32> to vector<16xf32>
      tpu.vector_store_idx %arg14[%shift_right_logical3A_95, %and3A_98], %convert_element_type3A_99 masked %unique3A_91 {add = true} : memref<80x128xf32, #tpu.memory_space<vmem>>[vector<16xi32>, vector<16xi32>], vector<16xf32>, vector<16xi1>
      %get3A_100 = arith.index_cast %scan3A_20 : i32 to index
      %get3A_101 = arith.constant 96 : index
      %get3A_102 = tpu.vector_load %arg12[%get3A_100, %get3A_101] {strides = array<i32>} : memref<79x128xi32, #tpu.memory_space<vmem>>, vector<16xi32>,
      %broadcast_in_dim3A_103 = arith.constant true
      %broadcast_in_dim3A_104 = vector.broadcast %broadcast_in_dim3A_103 : i1 to vector<16xi1>
      %unique3A_105, %unique3A_106 = tpu.scan_count mask(%broadcast_in_dim3A_104 : vector<16xi1>) value(%get3A_102 : vector<16xi32>) : vector<16xi1>, vector<16xi32>
      %shift_right_logical3A_107 = arith.constant 7 : i32
      %shift_right_logical3A_108 = vector.broadcast %shift_right_logical3A_107 : i32 to vector<16xi32>
      %shift_right_logical3A_109 = arith.shrui %get3A_102, %shift_right_logical3A_108 : vector<16xi32>
      %and3A_110 = arith.constant 127 : i32
      %and3A_111 = vector.broadcast %and3A_110 : i32 to vector<16xi32>
      %and3A_112 = arith.andi %get3A_102, %and3A_111 : vector<16xi32>
      %convert_element_type3A_113 = arith.sitofp %unique3A_106 : vector<16xi32> to vector<16xf32>
      tpu.vector_store_idx %arg14[%shift_right_logical3A_109, %and3A_112], %convert_element_type3A_113 masked %unique3A_105 {add = true} : memref<80x128xf32, #tpu.memory_space<vmem>>[vector<16xi32>, vector<16xi32>], vector<16xf32>, vector<16xi1>
      %get3A_114 = arith.index_cast %scan3A_20 : i32 to index
      %get3A_115 = arith.constant 112 : index
      %get3A_116 = tpu.vector_load %arg12[%get3A_114, %get3A_115] {strides = array<i32>} : memref<79x128xi32, #tpu.memory_space<vmem>>, vector<16xi32>,
      %broadcast_in_dim3A_117 = arith.constant true
      %broadcast_in_dim3A_118 = vector.broadcast %broadcast_in_dim3A_117 : i1 to vector<16xi1>
      %unique3A_119, %unique3A_120 = tpu.scan_count mask(%broadcast_in_dim3A_118 : vector<16xi1>) value(%get3A_116 : vector<16xi32>) : vector<16xi1>, vector<16xi32>
      %shift_right_logical3A_121 = arith.constant 7 : i32
      %shift_right_logical3A_122 = vector.broadcast %shift_right_logical3A_121 : i32 to vector<16xi32>
      %shift_right_logical3A_123 = arith.shrui %get3A_116, %shift_right_logical3A_122 : vector<16xi32>
      %and3A_124 = arith.constant 127 : i32
      %and3A_125 = vector.broadcast %and3A_124 : i32 to vector<16xi32>
      %and3A_126 = arith.andi %get3A_116, %and3A_125 : vector<16xi32>
      %convert_element_type3A_127 = arith.sitofp %unique3A_120 : vector<16xi32> to vector<16xf32>
      tpu.vector_store_idx %arg14[%shift_right_logical3A_123, %and3A_126], %convert_element_type3A_127 masked %unique3A_119 {add = true} : memref<80x128xf32, #tpu.memory_space<vmem>>[vector<16xi32>, vector<16xi32>], vector<16xf32>, vector<16xi1>
      "tpu.region"() ({
        %run_scoped3A = tpu.sem_alloc : memref<!tpu.dma_semaphore, #tpu.memory_space<semaphore_mem>>
        %dma_start3A = arith.constant 0 : i32
        %dma_start3A_128 = tpu.memref_slice %arg11[%scan3A_20, %dma_start3A] : memref<79x128xi32, #tpu.memory_space<vmem>> -> memref<1x128xi32, #tpu.memory_space<vmem>>
        %dma_start3A_129 = tpu.memref_squeeze %dma_start3A_128 : memref<1x128xi32, #tpu.memory_space<vmem>> -> memref<128xi32, #tpu.memory_space<vmem>>
        %dma_start3A_130 = arith.constant 0 : i32
        %dma_start3A_131 = arith.constant 0 : i32
        %dma_start3A_132 = tpu.memref_slice %arg2[%dma_start3A_130, %dma_start3A_131] : memref<10112x128xf32, #tpu.memory_space<hbm>> -> memref<10112x128xf32, #tpu.memory_space<hbm>>
        tpu.enqueue_indirect_dma source(%dma_start3A_132 : memref<10112x128xf32, #tpu.memory_space<hbm>>) target(%arg13 : memref<128x128xf32, #tpu.memory_space<vmem>>) offsets(%dma_start3A_129 : memref<128xi32, #tpu.memory_space<vmem>>) semaphore(%run_scoped3A : memref<!tpu.dma_semaphore, #tpu.memory_space<semaphore_mem>>)
        %dma_wait3A = arith.constant 0 : i32
        %dma_wait3A_133 = tpu.memref_slice %arg11[%scan3A_20, %dma_wait3A] : memref<79x128xi32, #tpu.memory_space<vmem>> -> memref<1x128xi32, #tpu.memory_space<vmem>>
        %dma_wait3A_134 = tpu.memref_squeeze %dma_wait3A_133 : memref<1x128xi32, #tpu.memory_space<vmem>> -> memref<128xi32, #tpu.memory_space<vmem>>
        %dma_wait3A_135 = arith.constant 0 : i32
        %dma_wait3A_136 = arith.constant 0 : i32
        %dma_wait3A_137 = tpu.memref_slice %arg2[%dma_wait3A_135, %dma_wait3A_136] : memref<10112x128xf32, #tpu.memory_space<hbm>> -> memref<10112x128xf32, #tpu.memory_space<hbm>>
        tpu.wait_indirect_dma semaphore(%run_scoped3A : memref<!tpu.dma_semaphore, #tpu.memory_space<semaphore_mem>>) src(%dma_wait3A_137 : memref<10112x128xf32, #tpu.memory_space<hbm>>) dst(%arg13 : memref<128x128xf32, #tpu.memory_space<vmem>>)
        tpu.yield
      }) : () -> ()
      "tpu.region"() ({
        %run_scoped3A = tpu.sem_alloc : memref<!tpu.dma_semaphore, #tpu.memory_space<semaphore_mem>>
        %dma_start3A = arith.constant 0 : i32
        %dma_start3A_128 = tpu.memref_slice %arg12[%scan3A_20, %dma_start3A] : memref<79x128xi32, #tpu.memory_space<vmem>> -> memref<1x128xi32, #tpu.memory_space<vmem>>
        %dma_start3A_129 = tpu.memref_squeeze %dma_start3A_128 : memref<1x128xi32, #tpu.memory_space<vmem>> -> memref<128xi32, #tpu.memory_space<vmem>>
        %dma_start3A_130 = arith.constant 0 : i32
        %dma_start3A_131 = arith.constant 0 : i32
        %dma_start3A_132 = tpu.memref_slice %arg9[%dma_start3A_130, %dma_start3A_131] : memref<10112x128xf32, #tpu.memory_space<vmem_shared>> -> memref<10112x128xf32, #tpu.memory_space<vmem_shared>>
        tpu.enqueue_indirect_dma source(%arg13 : memref<128x128xf32, #tpu.memory_space<vmem>>) target(%dma_start3A_132 : memref<10112x128xf32, #tpu.memory_space<vmem_shared>>) offsets(%dma_start3A_129 : memref<128xi32, #tpu.memory_space<vmem>>) semaphore(%run_scoped3A : memref<!tpu.dma_semaphore, #tpu.memory_space<semaphore_mem>>) {add = true}
        %dma_wait3A = arith.constant 0 : i32
        %dma_wait3A_133 = tpu.memref_slice %arg12[%scan3A_20, %dma_wait3A] : memref<79x128xi32, #tpu.memory_space<vmem>> -> memref<1x128xi32, #tpu.memory_space<vmem>>
        %dma_wait3A_134 = tpu.memref_squeeze %dma_wait3A_133 : memref<1x128xi32, #tpu.memory_space<vmem>> -> memref<128xi32, #tpu.memory_space<vmem>>
        %dma_wait3A_135 = arith.constant 0 : i32
        %dma_wait3A_136 = arith.constant 0 : i32
        %dma_wait3A_137 = tpu.memref_slice %arg9[%dma_wait3A_135, %dma_wait3A_136] : memref<10112x128xf32, #tpu.memory_space<vmem_shared>> -> memref<10112x128xf32, #tpu.memory_space<vmem_shared>>
        tpu.wait_indirect_dma semaphore(%run_scoped3A : memref<!tpu.dma_semaphore, #tpu.memory_space<semaphore_mem>>) src(%arg13 : memref<128x128xf32, #tpu.memory_space<vmem>>) dst(%dma_wait3A_137 : memref<10112x128xf32, #tpu.memory_space<vmem_shared>>)
        tpu.yield
      }) : () -> ()
    }
    %scan3A_9 = arith.constant 79 : i32
    "tpu.region"() ({
      %run_scoped3A = tpu.sem_alloc : memref<!tpu.dma_semaphore, #tpu.memory_space<semaphore_mem>>
      %dma_start3A = arith.constant 0 : i32
      %dma_start3A_20 = arith.constant 0 : i32
      %dma_start3A_21 = tpu.memref_slice %arg10[%dma_start3A, %dma_start3A_20] : memref<80x128xf32, #tpu.memory_space<vmem_shared>> -> memref<80x128xf32, #tpu.memory_space<vmem_shared>>
      tpu.enqueue_indirect_dma source(%arg14 : memref<80x128xf32, #tpu.memory_space<vmem>>) target(%dma_start3A_21 : memref<80x128xf32, #tpu.memory_space<vmem_shared>>) offsets(%arg15 : memref<80xi32, #tpu.memory_space<vmem>>) semaphore(%run_scoped3A : memref<!tpu.dma_semaphore, #tpu.memory_space<semaphore_mem>>) {add = true}
      %dma_wait3A = arith.constant 0 : i32
      %dma_wait3A_22 = arith.constant 0 : i32
      %dma_wait3A_23 = tpu.memref_slice %arg10[%dma_wait3A, %dma_wait3A_22] : memref<80x128xf32, #tpu.memory_space<vmem_shared>> -> memref<80x128xf32, #tpu.memory_space<vmem_shared>>
      tpu.wait_indirect_dma semaphore(%run_scoped3A : memref<!tpu.dma_semaphore, #tpu.memory_space<semaphore_mem>>) src(%arg14 : memref<80x128xf32, #tpu.memory_space<vmem>>) dst(%dma_wait3A_23 : memref<80x128xf32, #tpu.memory_space<vmem_shared>>)
      tpu.yield
    }) : () -> ()
    %barrier3A_10 = arith.constant 0 : index
    tpu.barrier barrier_id(%barrier3A_10)
    %mul3A_11 = arith.constant 632 : i32
    %mul3A_12 = arith.muli %arg1, %mul3A_11 : i32
    %mul3A_13 = arith.constant 632 : i32
    %mul3A_14 = arith.muli %arg1, %mul3A_13 : i32
    "tpu.region"() ({
      %run_scoped3A = tpu.sem_alloc : memref<!tpu.dma_semaphore, #tpu.memory_space<semaphore_mem>>
      %dma_start3A = arith.constant 0 : i32
      %dma_start3A_20 = tpu.memref_slice %arg7[%arg0, %mul3A_14, %dma_start3A] : memref<2x10112x128xf32, #tpu.memory_space<hbm>> -> memref<1x632x128xf32, #tpu.memory_space<hbm>>
      %dma_start3A_21 = tpu.memref_squeeze %dma_start3A_20 : memref<1x632x128xf32, #tpu.memory_space<hbm>> -> memref<632x128xf32, #tpu.memory_space<hbm>>
      %dma_start3A_22 = arith.constant 0 : i32
      %dma_start3A_23 = tpu.memref_slice %arg9[%mul3A_12, %dma_start3A_22] : memref<10112x128xf32, #tpu.memory_space<vmem_shared>> -> memref<632x128xf32, #tpu.memory_space<vmem_shared>>
      tpu.enqueue_dma source(%dma_start3A_23 : memref<632x128xf32, #tpu.memory_space<vmem_shared>>) target(%dma_start3A_21 : memref<632x128xf32, #tpu.memory_space<hbm>>) target_semaphore(%run_scoped3A : memref<!tpu.dma_semaphore, #tpu.memory_space<semaphore_mem>>)
      %dma_wait3A = arith.constant 0 : i32
      %dma_wait3A_24 = tpu.memref_slice %arg7[%arg0, %mul3A_14, %dma_wait3A] : memref<2x10112x128xf32, #tpu.memory_space<hbm>> -> memref<1x632x128xf32, #tpu.memory_space<hbm>>
      %dma_wait3A_25 = tpu.memref_squeeze %dma_wait3A_24 : memref<1x632x128xf32, #tpu.memory_space<hbm>> -> memref<632x128xf32, #tpu.memory_space<hbm>>
      %dma_wait3A_26 = arith.constant 0 : i32
      %dma_wait3A_27 = tpu.memref_slice %arg9[%mul3A_12, %dma_wait3A_26] : memref<10112x128xf32, #tpu.memory_space<vmem_shared>> -> memref<632x128xf32, #tpu.memory_space<vmem_shared>>
      tpu.wait_dma2 semaphore(%run_scoped3A : memref<!tpu.dma_semaphore, #tpu.memory_space<semaphore_mem>>) src(%dma_wait3A_27 : memref<632x128xf32, #tpu.memory_space<vmem_shared>>) dst(%dma_wait3A_25 : memref<632x128xf32, #tpu.memory_space<hbm>>)
      tpu.yield
    }) : () -> ()
    %eq3A_15 = arith.constant 0 : i32
    %eq3A_16 = arith.cmpi eq, %arg1, %eq3A_15 : i32
    %convert_element_type3A_17 = arith.extui %eq3A_16 : i1 to i32
    %cond3A_18 = arith.constant 0 : i32
    %cond3A_19 = arith.cmpi ne, %convert_element_type3A_17, %cond3A_18 : i32
    scf.if %cond3A_19 {
      "tpu.region"() ({
        %run_scoped3A = tpu.sem_alloc : memref<!tpu.dma_semaphore, #tpu.memory_space<semaphore_mem>>
        %dma_start3A = arith.constant 0 : i32
        %dma_start3A_20 = arith.constant 0 : i32
        %dma_start3A_21 = tpu.memref_slice %arg8[%arg0, %dma_start3A, %dma_start3A_20] : memref<2x80x128xf32, #tpu.memory_space<hbm>> -> memref<1x80x128xf32, #tpu.memory_space<hbm>>
        %dma_start3A_22 = tpu.memref_squeeze %dma_start3A_21 : memref<1x80x128xf32, #tpu.memory_space<hbm>> -> memref<80x128xf32, #tpu.memory_space<hbm>>
        tpu.enqueue_dma source(%arg10 : memref<80x128xf32, #tpu.memory_space<vmem_shared>>) target(%dma_start3A_22 : memref<80x128xf32, #tpu.memory_space<hbm>>) target_semaphore(%run_scoped3A : memref<!tpu.dma_semaphore, #tpu.memory_space<semaphore_mem>>)
        %dma_wait3A = arith.constant 0 : i32
        %dma_wait3A_23 = arith.constant 0 : i32
        %dma_wait3A_24 = tpu.memref_slice %arg8[%arg0, %dma_wait3A, %dma_wait3A_23] : memref<2x80x128xf32, #tpu.memory_space<hbm>> -> memref<1x80x128xf32, #tpu.memory_space<hbm>>
        %dma_wait3A_25 = tpu.memref_squeeze %dma_wait3A_24 : memref<1x80x128xf32, #tpu.memory_space<hbm>> -> memref<80x128xf32, #tpu.memory_space<hbm>>
        tpu.wait_dma2 semaphore(%run_scoped3A : memref<!tpu.dma_semaphore, #tpu.memory_space<semaphore_mem>>) src(%arg10 : memref<80x128xf32, #tpu.memory_space<vmem_shared>>) dst(%dma_wait3A_25 : memref<80x128xf32, #tpu.memory_space<hbm>>)
        tpu.yield
      }) : () -> ()
    } else {
    }
    return
  }
}

#map = affine_map<(d0, d1) -> (0)>
#map1 = affine_map<(d0, d1) -> (0, 0, 0)>
module attributes {stable_mosaic.version = 14 : i64} {
  func.func @_combine_body(%arg0: i32, %arg1: i32, %arg2: memref<40448xf32, #tpu.memory_space<hbm>>, %arg3: memref<32x79x128xi32, #tpu.memory_space<hbm>>, %arg4: memref<32x79x128xi32, #tpu.memory_space<hbm>>, %arg5: memref<320000xf32, #tpu.memory_space<hbm>>, %arg6: memref<320000xf32, #tpu.memory_space<hbm>>, %arg7: memref<40448xf32, #tpu.memory_space<vmem>>, %arg8: memref<79x128xi32, #tpu.memory_space<vmem>>, %arg9: memref<79x128xi32, #tpu.memory_space<vmem>>, %arg10: memref<10112xf32, #tpu.memory_space<vmem>>, %arg11: memref<10112xf32, #tpu.memory_space<vmem>>) attributes {dimension_semantics = [#tpu.dimension_semantics<core_parallel>, #tpu.dimension_semantics<subcore_parallel>], iteration_bounds = array<i64: 2, 16>, scalar_prefetch = 0 : i64, scratch_operands = 5 : i64, tpu.core_type = #tpu.core_type<sc_vector_subcore>, window_params = [{transform_indices = #map}, {transform_indices = #map1}, {transform_indices = #map1}, {transform_indices = #map}, {transform_indices = #map}]} {
    %mul3A = arith.constant 2 : i32
    %mul3A_0 = arith.muli %arg1, %mul3A : i32
    %add3A = arith.addi %mul3A_0, %arg0 : i32
    "tpu.region"() ({
      %run_scoped3A = tpu.sem_alloc : memref<!tpu.dma_semaphore, #tpu.memory_space<semaphore_mem>>
      tpu.enqueue_dma source(%arg2 : memref<40448xf32, #tpu.memory_space<hbm>>) target(%arg7 : memref<40448xf32, #tpu.memory_space<vmem>>) target_semaphore(%run_scoped3A : memref<!tpu.dma_semaphore, #tpu.memory_space<semaphore_mem>>)
      tpu.wait_dma2 semaphore(%run_scoped3A : memref<!tpu.dma_semaphore, #tpu.memory_space<semaphore_mem>>) src(%arg2 : memref<40448xf32, #tpu.memory_space<hbm>>) dst(%arg7 : memref<40448xf32, #tpu.memory_space<vmem>>)
      tpu.yield
    }) : () -> ()
    "tpu.region"() ({
      %run_scoped3A = tpu.sem_alloc : memref<!tpu.dma_semaphore, #tpu.memory_space<semaphore_mem>>
      %dma_start3A = arith.constant 0 : i32
      %dma_start3A_12 = arith.constant 0 : i32
      %dma_start3A_13 = tpu.memref_slice %arg3[%add3A, %dma_start3A, %dma_start3A_12] : memref<32x79x128xi32, #tpu.memory_space<hbm>> -> memref<1x79x128xi32, #tpu.memory_space<hbm>>
      %dma_start3A_14 = tpu.memref_squeeze %dma_start3A_13 : memref<1x79x128xi32, #tpu.memory_space<hbm>> -> memref<79x128xi32, #tpu.memory_space<hbm>>
      %dma_start3A_15 = arith.constant 0 : i32
      %dma_start3A_16 = arith.constant 0 : i32
      %dma_start3A_17 = tpu.memref_slice %arg3[%add3A, %dma_start3A_15, %dma_start3A_16] : memref<32x79x128xi32, #tpu.memory_space<hbm>> -> memref<1x79x128xi32, #tpu.memory_space<hbm>>
      %dma_start3A_18 = tpu.memref_squeeze %dma_start3A_17 : memref<1x79x128xi32, #tpu.memory_space<hbm>> -> memref<79x128xi32, #tpu.memory_space<hbm>>
      tpu.enqueue_dma source(%dma_start3A_18 : memref<79x128xi32, #tpu.memory_space<hbm>>) target(%arg8 : memref<79x128xi32, #tpu.memory_space<vmem>>) target_semaphore(%run_scoped3A : memref<!tpu.dma_semaphore, #tpu.memory_space<semaphore_mem>>)
      %dma_wait3A = arith.constant 0 : i32
      %dma_wait3A_19 = arith.constant 0 : i32
      %dma_wait3A_20 = tpu.memref_slice %arg3[%add3A, %dma_wait3A, %dma_wait3A_19] : memref<32x79x128xi32, #tpu.memory_space<hbm>> -> memref<1x79x128xi32, #tpu.memory_space<hbm>>
      %dma_wait3A_21 = tpu.memref_squeeze %dma_wait3A_20 : memref<1x79x128xi32, #tpu.memory_space<hbm>> -> memref<79x128xi32, #tpu.memory_space<hbm>>
      %dma_wait3A_22 = arith.constant 0 : i32
      %dma_wait3A_23 = arith.constant 0 : i32
      %dma_wait3A_24 = tpu.memref_slice %arg3[%add3A, %dma_wait3A_22, %dma_wait3A_23] : memref<32x79x128xi32, #tpu.memory_space<hbm>> -> memref<1x79x128xi32, #tpu.memory_space<hbm>>
      %dma_wait3A_25 = tpu.memref_squeeze %dma_wait3A_24 : memref<1x79x128xi32, #tpu.memory_space<hbm>> -> memref<79x128xi32, #tpu.memory_space<hbm>>
      tpu.wait_dma2 semaphore(%run_scoped3A : memref<!tpu.dma_semaphore, #tpu.memory_space<semaphore_mem>>) src(%dma_wait3A_25 : memref<79x128xi32, #tpu.memory_space<hbm>>) dst(%arg8 : memref<79x128xi32, #tpu.memory_space<vmem>>)
      tpu.yield
    }) : () -> ()
    "tpu.region"() ({
      %run_scoped3A = tpu.sem_alloc : memref<!tpu.dma_semaphore, #tpu.memory_space<semaphore_mem>>
      %dma_start3A = arith.constant 0 : i32
      %dma_start3A_12 = arith.constant 0 : i32
      %dma_start3A_13 = tpu.memref_slice %arg4[%add3A, %dma_start3A, %dma_start3A_12] : memref<32x79x128xi32, #tpu.memory_space<hbm>> -> memref<1x79x128xi32, #tpu.memory_space<hbm>>
      %dma_start3A_14 = tpu.memref_squeeze %dma_start3A_13 : memref<1x79x128xi32, #tpu.memory_space<hbm>> -> memref<79x128xi32, #tpu.memory_space<hbm>>
      %dma_start3A_15 = arith.constant 0 : i32
      %dma_start3A_16 = arith.constant 0 : i32
      %dma_start3A_17 = tpu.memref_slice %arg4[%add3A, %dma_start3A_15, %dma_start3A_16] : memref<32x79x128xi32, #tpu.memory_space<hbm>> -> memref<1x79x128xi32, #tpu.memory_space<hbm>>
      %dma_start3A_18 = tpu.memref_squeeze %dma_start3A_17 : memref<1x79x128xi32, #tpu.memory_space<hbm>> -> memref<79x128xi32, #tpu.memory_space<hbm>>
      tpu.enqueue_dma source(%dma_start3A_18 : memref<79x128xi32, #tpu.memory_space<hbm>>) target(%arg9 : memref<79x128xi32, #tpu.memory_space<vmem>>) target_semaphore(%run_scoped3A : memref<!tpu.dma_semaphore, #tpu.memory_space<semaphore_mem>>)
      %dma_wait3A = arith.constant 0 : i32
      %dma_wait3A_19 = arith.constant 0 : i32
      %dma_wait3A_20 = tpu.memref_slice %arg4[%add3A, %dma_wait3A, %dma_wait3A_19] : memref<32x79x128xi32, #tpu.memory_space<hbm>> -> memref<1x79x128xi32, #tpu.memory_space<hbm>>
      %dma_wait3A_21 = tpu.memref_squeeze %dma_wait3A_20 : memref<1x79x128xi32, #tpu.memory_space<hbm>> -> memref<79x128xi32, #tpu.memory_space<hbm>>
      %dma_wait3A_22 = arith.constant 0 : i32
      %dma_wait3A_23 = arith.constant 0 : i32
      %dma_wait3A_24 = tpu.memref_slice %arg4[%add3A, %dma_wait3A_22, %dma_wait3A_23] : memref<32x79x128xi32, #tpu.memory_space<hbm>> -> memref<1x79x128xi32, #tpu.memory_space<hbm>>
      %dma_wait3A_25 = tpu.memref_squeeze %dma_wait3A_24 : memref<1x79x128xi32, #tpu.memory_space<hbm>> -> memref<79x128xi32, #tpu.memory_space<hbm>>
      tpu.wait_dma2 semaphore(%run_scoped3A : memref<!tpu.dma_semaphore, #tpu.memory_space<semaphore_mem>>) src(%dma_wait3A_25 : memref<79x128xi32, #tpu.memory_space<hbm>>) dst(%arg9 : memref<79x128xi32, #tpu.memory_space<vmem>>)
      tpu.yield
    }) : () -> ()
    %iota3A = tpu.iota {dimensions = array<i32: 0>} : vector<16xi32>
    %scan3A = arith.constant 0 : i32
    %scan3A_1 = arith.constant 0 : i32
    %scan3A_2 = arith.constant 79 : i32
    %scan3A_3 = arith.addi %scan3A_1, %scan3A_2 : i32
    %scan3A_4 = arith.constant 1 : i32
    scf.for %scan3A_12 = %scan3A_1 to %scan3A_3 step %scan3A_4  : i32 {
      %get3A = arith.index_cast %scan3A_12 : i32 to index
      %get3A_13 = arith.constant 0 : index
      %get3A_14 = tpu.vector_load %arg8[%get3A, %get3A_13] {strides = array<i32>} : memref<79x128xi32, #tpu.memory_space<vmem>>, vector<16xi32>,
      %mul3A_15 = arith.constant 4 : i32
      %mul3A_16 = vector.broadcast %mul3A_15 : i32 to vector<16xi32>
      %mul3A_17 = arith.muli %get3A_14, %mul3A_16 : vector<16xi32>
      %get3A_18 = arith.index_cast %scan3A_12 : i32 to index
      %get3A_19 = arith.constant 0 : index
      %get3A_20 = tpu.vector_load %arg9[%get3A_18, %get3A_19] {strides = array<i32>} : memref<79x128xi32, #tpu.memory_space<vmem>>, vector<16xi32>,
      %mul3A_21 = arith.constant 4 : i32
      %mul3A_22 = vector.broadcast %mul3A_21 : i32 to vector<16xi32>
      %mul3A_23 = arith.muli %get3A_20, %mul3A_22 : vector<16xi32>
      %mul3A_24 = arith.constant 128 : i32
      %mul3A_25 = arith.muli %scan3A_12, %mul3A_24 : i32
      %add3A_26 = arith.constant 0 : i32
      %add3A_27 = arith.addi %mul3A_25, %add3A_26 : i32
      %add3A_28 = vector.broadcast %add3A_27 : i32 to vector<16xi32>
      %add3A_29 = arith.addi %add3A_28, %iota3A : vector<16xi32>
      %gather3A = tpu.vector_load_idx %arg7[%mul3A_17] : memref<40448xf32, #tpu.memory_space<vmem>>[vector<16xi32>], vector<16xf32>,
      %add3A_30 = arith.constant 1 : i32
      %add3A_31 = vector.broadcast %add3A_30 : i32 to vector<16xi32>
      %add3A_32 = arith.addi %mul3A_17, %add3A_31 : vector<16xi32>
      %gather3A_33 = tpu.vector_load_idx %arg7[%add3A_32] : memref<40448xf32, #tpu.memory_space<vmem>>[vector<16xi32>], vector<16xf32>,
      %add3A_34 = arith.constant 2 : i32
      %add3A_35 = vector.broadcast %add3A_34 : i32 to vector<16xi32>
      %add3A_36 = arith.addi %mul3A_23, %add3A_35 : vector<16xi32>
      %gather3A_37 = tpu.vector_load_idx %arg7[%add3A_36] : memref<40448xf32, #tpu.memory_space<vmem>>[vector<16xi32>], vector<16xf32>,
      %add3A_38 = arith.constant 3 : i32
      %add3A_39 = vector.broadcast %add3A_38 : i32 to vector<16xi32>
      %add3A_40 = arith.addi %mul3A_23, %add3A_39 : vector<16xi32>
      %gather3A_41 = tpu.vector_load_idx %arg7[%add3A_40] : memref<40448xf32, #tpu.memory_space<vmem>>[vector<16xi32>], vector<16xf32>,
      %add3A_42 = arith.addf %gather3A, %gather3A_37 : vector<16xf32>
      tpu.vector_store_idx %arg10[%add3A_29], %add3A_42 : memref<10112xf32, #tpu.memory_space<vmem>>[vector<16xi32>], vector<16xf32>,
      %add3A_43 = arith.addf %gather3A_33, %gather3A_41 : vector<16xf32>
      tpu.vector_store_idx %arg11[%add3A_29], %add3A_43 : memref<10112xf32, #tpu.memory_space<vmem>>[vector<16xi32>], vector<16xf32>,
      %get3A_44 = arith.index_cast %scan3A_12 : i32 to index
      %get3A_45 = arith.constant 16 : index
      %get3A_46 = tpu.vector_load %arg8[%get3A_44, %get3A_45] {strides = array<i32>} : memref<79x128xi32, #tpu.memory_space<vmem>>, vector<16xi32>,
      %mul3A_47 = arith.constant 4 : i32
      %mul3A_48 = vector.broadcast %mul3A_47 : i32 to vector<16xi32>
      %mul3A_49 = arith.muli %get3A_46, %mul3A_48 : vector<16xi32>
      %get3A_50 = arith.index_cast %scan3A_12 : i32 to index
      %get3A_51 = arith.constant 16 : index
      %get3A_52 = tpu.vector_load %arg9[%get3A_50, %get3A_51] {strides = array<i32>} : memref<79x128xi32, #tpu.memory_space<vmem>>, vector<16xi32>,
      %mul3A_53 = arith.constant 4 : i32
      %mul3A_54 = vector.broadcast %mul3A_53 : i32 to vector<16xi32>
      %mul3A_55 = arith.muli %get3A_52, %mul3A_54 : vector<16xi32>
      %mul3A_56 = arith.constant 128 : i32
      %mul3A_57 = arith.muli %scan3A_12, %mul3A_56 : i32
      %add3A_58 = arith.constant 16 : i32
      %add3A_59 = arith.addi %mul3A_57, %add3A_58 : i32
      %add3A_60 = vector.broadcast %add3A_59 : i32 to vector<16xi32>
      %add3A_61 = arith.addi %add3A_60, %iota3A : vector<16xi32>
      %gather3A_62 = tpu.vector_load_idx %arg7[%mul3A_49] : memref<40448xf32, #tpu.memory_space<vmem>>[vector<16xi32>], vector<16xf32>,
      %add3A_63 = arith.constant 1 : i32
      %add3A_64 = vector.broadcast %add3A_63 : i32 to vector<16xi32>
      %add3A_65 = arith.addi %mul3A_49, %add3A_64 : vector<16xi32>
      %gather3A_66 = tpu.vector_load_idx %arg7[%add3A_65] : memref<40448xf32, #tpu.memory_space<vmem>>[vector<16xi32>], vector<16xf32>,
      %add3A_67 = arith.constant 2 : i32
      %add3A_68 = vector.broadcast %add3A_67 : i32 to vector<16xi32>
      %add3A_69 = arith.addi %mul3A_55, %add3A_68 : vector<16xi32>
      %gather3A_70 = tpu.vector_load_idx %arg7[%add3A_69] : memref<40448xf32, #tpu.memory_space<vmem>>[vector<16xi32>], vector<16xf32>,
      %add3A_71 = arith.constant 3 : i32
      %add3A_72 = vector.broadcast %add3A_71 : i32 to vector<16xi32>
      %add3A_73 = arith.addi %mul3A_55, %add3A_72 : vector<16xi32>
      %gather3A_74 = tpu.vector_load_idx %arg7[%add3A_73] : memref<40448xf32, #tpu.memory_space<vmem>>[vector<16xi32>], vector<16xf32>,
      %add3A_75 = arith.addf %gather3A_62, %gather3A_70 : vector<16xf32>
      tpu.vector_store_idx %arg10[%add3A_61], %add3A_75 : memref<10112xf32, #tpu.memory_space<vmem>>[vector<16xi32>], vector<16xf32>,
      %add3A_76 = arith.addf %gather3A_66, %gather3A_74 : vector<16xf32>
      tpu.vector_store_idx %arg11[%add3A_61], %add3A_76 : memref<10112xf32, #tpu.memory_space<vmem>>[vector<16xi32>], vector<16xf32>,
      %get3A_77 = arith.index_cast %scan3A_12 : i32 to index
      %get3A_78 = arith.constant 32 : index
      %get3A_79 = tpu.vector_load %arg8[%get3A_77, %get3A_78] {strides = array<i32>} : memref<79x128xi32, #tpu.memory_space<vmem>>, vector<16xi32>,
      %mul3A_80 = arith.constant 4 : i32
      %mul3A_81 = vector.broadcast %mul3A_80 : i32 to vector<16xi32>
      %mul3A_82 = arith.muli %get3A_79, %mul3A_81 : vector<16xi32>
      %get3A_83 = arith.index_cast %scan3A_12 : i32 to index
      %get3A_84 = arith.constant 32 : index
      %get3A_85 = tpu.vector_load %arg9[%get3A_83, %get3A_84] {strides = array<i32>} : memref<79x128xi32, #tpu.memory_space<vmem>>, vector<16xi32>,
      %mul3A_86 = arith.constant 4 : i32
      %mul3A_87 = vector.broadcast %mul3A_86 : i32 to vector<16xi32>
      %mul3A_88 = arith.muli %get3A_85, %mul3A_87 : vector<16xi32>
      %mul3A_89 = arith.constant 128 : i32
      %mul3A_90 = arith.muli %scan3A_12, %mul3A_89 : i32
      %add3A_91 = arith.constant 32 : i32
      %add3A_92 = arith.addi %mul3A_90, %add3A_91 : i32
      %add3A_93 = vector.broadcast %add3A_92 : i32 to vector<16xi32>
      %add3A_94 = arith.addi %add3A_93, %iota3A : vector<16xi32>
      %gather3A_95 = tpu.vector_load_idx %arg7[%mul3A_82] : memref<40448xf32, #tpu.memory_space<vmem>>[vector<16xi32>], vector<16xf32>,
      %add3A_96 = arith.constant 1 : i32
      %add3A_97 = vector.broadcast %add3A_96 : i32 to vector<16xi32>
      %add3A_98 = arith.addi %mul3A_82, %add3A_97 : vector<16xi32>
      %gather3A_99 = tpu.vector_load_idx %arg7[%add3A_98] : memref<40448xf32, #tpu.memory_space<vmem>>[vector<16xi32>], vector<16xf32>,
      %add3A_100 = arith.constant 2 : i32
      %add3A_101 = vector.broadcast %add3A_100 : i32 to vector<16xi32>
      %add3A_102 = arith.addi %mul3A_88, %add3A_101 : vector<16xi32>
      %gather3A_103 = tpu.vector_load_idx %arg7[%add3A_102] : memref<40448xf32, #tpu.memory_space<vmem>>[vector<16xi32>], vector<16xf32>,
      %add3A_104 = arith.constant 3 : i32
      %add3A_105 = vector.broadcast %add3A_104 : i32 to vector<16xi32>
      %add3A_106 = arith.addi %mul3A_88, %add3A_105 : vector<16xi32>
      %gather3A_107 = tpu.vector_load_idx %arg7[%add3A_106] : memref<40448xf32, #tpu.memory_space<vmem>>[vector<16xi32>], vector<16xf32>,
      %add3A_108 = arith.addf %gather3A_95, %gather3A_103 : vector<16xf32>
      tpu.vector_store_idx %arg10[%add3A_94], %add3A_108 : memref<10112xf32, #tpu.memory_space<vmem>>[vector<16xi32>], vector<16xf32>,
      %add3A_109 = arith.addf %gather3A_99, %gather3A_107 : vector<16xf32>
      tpu.vector_store_idx %arg11[%add3A_94], %add3A_109 : memref<10112xf32, #tpu.memory_space<vmem>>[vector<16xi32>], vector<16xf32>,
      %get3A_110 = arith.index_cast %scan3A_12 : i32 to index
      %get3A_111 = arith.constant 48 : index
      %get3A_112 = tpu.vector_load %arg8[%get3A_110, %get3A_111] {strides = array<i32>} : memref<79x128xi32, #tpu.memory_space<vmem>>, vector<16xi32>,
      %mul3A_113 = arith.constant 4 : i32
      %mul3A_114 = vector.broadcast %mul3A_113 : i32 to vector<16xi32>
      %mul3A_115 = arith.muli %get3A_112, %mul3A_114 : vector<16xi32>
      %get3A_116 = arith.index_cast %scan3A_12 : i32 to index
      %get3A_117 = arith.constant 48 : index
      %get3A_118 = tpu.vector_load %arg9[%get3A_116, %get3A_117] {strides = array<i32>} : memref<79x128xi32, #tpu.memory_space<vmem>>, vector<16xi32>,
      %mul3A_119 = arith.constant 4 : i32
      %mul3A_120 = vector.broadcast %mul3A_119 : i32 to vector<16xi32>
      %mul3A_121 = arith.muli %get3A_118, %mul3A_120 : vector<16xi32>
      %mul3A_122 = arith.constant 128 : i32
      %mul3A_123 = arith.muli %scan3A_12, %mul3A_122 : i32
      %add3A_124 = arith.constant 48 : i32
      %add3A_125 = arith.addi %mul3A_123, %add3A_124 : i32
      %add3A_126 = vector.broadcast %add3A_125 : i32 to vector<16xi32>
      %add3A_127 = arith.addi %add3A_126, %iota3A : vector<16xi32>
      %gather3A_128 = tpu.vector_load_idx %arg7[%mul3A_115] : memref<40448xf32, #tpu.memory_space<vmem>>[vector<16xi32>], vector<16xf32>,
      %add3A_129 = arith.constant 1 : i32
      %add3A_130 = vector.broadcast %add3A_129 : i32 to vector<16xi32>
      %add3A_131 = arith.addi %mul3A_115, %add3A_130 : vector<16xi32>
      %gather3A_132 = tpu.vector_load_idx %arg7[%add3A_131] : memref<40448xf32, #tpu.memory_space<vmem>>[vector<16xi32>], vector<16xf32>,
      %add3A_133 = arith.constant 2 : i32
      %add3A_134 = vector.broadcast %add3A_133 : i32 to vector<16xi32>
      %add3A_135 = arith.addi %mul3A_121, %add3A_134 : vector<16xi32>
      %gather3A_136 = tpu.vector_load_idx %arg7[%add3A_135] : memref<40448xf32, #tpu.memory_space<vmem>>[vector<16xi32>], vector<16xf32>,
      %add3A_137 = arith.constant 3 : i32
      %add3A_138 = vector.broadcast %add3A_137 : i32 to vector<16xi32>
      %add3A_139 = arith.addi %mul3A_121, %add3A_138 : vector<16xi32>
      %gather3A_140 = tpu.vector_load_idx %arg7[%add3A_139] : memref<40448xf32, #tpu.memory_space<vmem>>[vector<16xi32>], vector<16xf32>,
      %add3A_141 = arith.addf %gather3A_128, %gather3A_136 : vector<16xf32>
      tpu.vector_store_idx %arg10[%add3A_127], %add3A_141 : memref<10112xf32, #tpu.memory_space<vmem>>[vector<16xi32>], vector<16xf32>,
      %add3A_142 = arith.addf %gather3A_132, %gather3A_140 : vector<16xf32>
      tpu.vector_store_idx %arg11[%add3A_127], %add3A_142 : memref<10112xf32, #tpu.memory_space<vmem>>[vector<16xi32>], vector<16xf32>,
      %get3A_143 = arith.index_cast %scan3A_12 : i32 to index
      %get3A_144 = arith.constant 64 : index
      %get3A_145 = tpu.vector_load %arg8[%get3A_143, %get3A_144] {strides = array<i32>} : memref<79x128xi32, #tpu.memory_space<vmem>>, vector<16xi32>,
      %mul3A_146 = arith.constant 4 : i32
      %mul3A_147 = vector.broadcast %mul3A_146 : i32 to vector<16xi32>
      %mul3A_148 = arith.muli %get3A_145, %mul3A_147 : vector<16xi32>
      %get3A_149 = arith.index_cast %scan3A_12 : i32 to index
      %get3A_150 = arith.constant 64 : index
      %get3A_151 = tpu.vector_load %arg9[%get3A_149, %get3A_150] {strides = array<i32>} : memref<79x128xi32, #tpu.memory_space<vmem>>, vector<16xi32>,
      %mul3A_152 = arith.constant 4 : i32
      %mul3A_153 = vector.broadcast %mul3A_152 : i32 to vector<16xi32>
      %mul3A_154 = arith.muli %get3A_151, %mul3A_153 : vector<16xi32>
      %mul3A_155 = arith.constant 128 : i32
      %mul3A_156 = arith.muli %scan3A_12, %mul3A_155 : i32
      %add3A_157 = arith.constant 64 : i32
      %add3A_158 = arith.addi %mul3A_156, %add3A_157 : i32
      %add3A_159 = vector.broadcast %add3A_158 : i32 to vector<16xi32>
      %add3A_160 = arith.addi %add3A_159, %iota3A : vector<16xi32>
      %gather3A_161 = tpu.vector_load_idx %arg7[%mul3A_148] : memref<40448xf32, #tpu.memory_space<vmem>>[vector<16xi32>], vector<16xf32>,
      %add3A_162 = arith.constant 1 : i32
      %add3A_163 = vector.broadcast %add3A_162 : i32 to vector<16xi32>
      %add3A_164 = arith.addi %mul3A_148, %add3A_163 : vector<16xi32>
      %gather3A_165 = tpu.vector_load_idx %arg7[%add3A_164] : memref<40448xf32, #tpu.memory_space<vmem>>[vector<16xi32>], vector<16xf32>,
      %add3A_166 = arith.constant 2 : i32
      %add3A_167 = vector.broadcast %add3A_166 : i32 to vector<16xi32>
      %add3A_168 = arith.addi %mul3A_154, %add3A_167 : vector<16xi32>
      %gather3A_169 = tpu.vector_load_idx %arg7[%add3A_168] : memref<40448xf32, #tpu.memory_space<vmem>>[vector<16xi32>], vector<16xf32>,
      %add3A_170 = arith.constant 3 : i32
      %add3A_171 = vector.broadcast %add3A_170 : i32 to vector<16xi32>
      %add3A_172 = arith.addi %mul3A_154, %add3A_171 : vector<16xi32>
      %gather3A_173 = tpu.vector_load_idx %arg7[%add3A_172] : memref<40448xf32, #tpu.memory_space<vmem>>[vector<16xi32>], vector<16xf32>,
      %add3A_174 = arith.addf %gather3A_161, %gather3A_169 : vector<16xf32>
      tpu.vector_store_idx %arg10[%add3A_160], %add3A_174 : memref<10112xf32, #tpu.memory_space<vmem>>[vector<16xi32>], vector<16xf32>,
      %add3A_175 = arith.addf %gather3A_165, %gather3A_173 : vector<16xf32>
      tpu.vector_store_idx %arg11[%add3A_160], %add3A_175 : memref<10112xf32, #tpu.memory_space<vmem>>[vector<16xi32>], vector<16xf32>,
      %get3A_176 = arith.index_cast %scan3A_12 : i32 to index
      %get3A_177 = arith.constant 80 : index
      %get3A_178 = tpu.vector_load %arg8[%get3A_176, %get3A_177] {strides = array<i32>} : memref<79x128xi32, #tpu.memory_space<vmem>>, vector<16xi32>,
      %mul3A_179 = arith.constant 4 : i32
      %mul3A_180 = vector.broadcast %mul3A_179 : i32 to vector<16xi32>
      %mul3A_181 = arith.muli %get3A_178, %mul3A_180 : vector<16xi32>
      %get3A_182 = arith.index_cast %scan3A_12 : i32 to index
      %get3A_183 = arith.constant 80 : index
      %get3A_184 = tpu.vector_load %arg9[%get3A_182, %get3A_183] {strides = array<i32>} : memref<79x128xi32, #tpu.memory_space<vmem>>, vector<16xi32>,
      %mul3A_185 = arith.constant 4 : i32
      %mul3A_186 = vector.broadcast %mul3A_185 : i32 to vector<16xi32>
      %mul3A_187 = arith.muli %get3A_184, %mul3A_186 : vector<16xi32>
      %mul3A_188 = arith.constant 128 : i32
      %mul3A_189 = arith.muli %scan3A_12, %mul3A_188 : i32
      %add3A_190 = arith.constant 80 : i32
      %add3A_191 = arith.addi %mul3A_189, %add3A_190 : i32
      %add3A_192 = vector.broadcast %add3A_191 : i32 to vector<16xi32>
      %add3A_193 = arith.addi %add3A_192, %iota3A : vector<16xi32>
      %gather3A_194 = tpu.vector_load_idx %arg7[%mul3A_181] : memref<40448xf32, #tpu.memory_space<vmem>>[vector<16xi32>], vector<16xf32>,
      %add3A_195 = arith.constant 1 : i32
      %add3A_196 = vector.broadcast %add3A_195 : i32 to vector<16xi32>
      %add3A_197 = arith.addi %mul3A_181, %add3A_196 : vector<16xi32>
      %gather3A_198 = tpu.vector_load_idx %arg7[%add3A_197] : memref<40448xf32, #tpu.memory_space<vmem>>[vector<16xi32>], vector<16xf32>,
      %add3A_199 = arith.constant 2 : i32
      %add3A_200 = vector.broadcast %add3A_199 : i32 to vector<16xi32>
      %add3A_201 = arith.addi %mul3A_187, %add3A_200 : vector<16xi32>
      %gather3A_202 = tpu.vector_load_idx %arg7[%add3A_201] : memref<40448xf32, #tpu.memory_space<vmem>>[vector<16xi32>], vector<16xf32>,
      %add3A_203 = arith.constant 3 : i32
      %add3A_204 = vector.broadcast %add3A_203 : i32 to vector<16xi32>
      %add3A_205 = arith.addi %mul3A_187, %add3A_204 : vector<16xi32>
      %gather3A_206 = tpu.vector_load_idx %arg7[%add3A_205] : memref<40448xf32, #tpu.memory_space<vmem>>[vector<16xi32>], vector<16xf32>,
      %add3A_207 = arith.addf %gather3A_194, %gather3A_202 : vector<16xf32>
      tpu.vector_store_idx %arg10[%add3A_193], %add3A_207 : memref<10112xf32, #tpu.memory_space<vmem>>[vector<16xi32>], vector<16xf32>,
      %add3A_208 = arith.addf %gather3A_198, %gather3A_206 : vector<16xf32>
      tpu.vector_store_idx %arg11[%add3A_193], %add3A_208 : memref<10112xf32, #tpu.memory_space<vmem>>[vector<16xi32>], vector<16xf32>,
      %get3A_209 = arith.index_cast %scan3A_12 : i32 to index
      %get3A_210 = arith.constant 96 : index
      %get3A_211 = tpu.vector_load %arg8[%get3A_209, %get3A_210] {strides = array<i32>} : memref<79x128xi32, #tpu.memory_space<vmem>>, vector<16xi32>,
      %mul3A_212 = arith.constant 4 : i32
      %mul3A_213 = vector.broadcast %mul3A_212 : i32 to vector<16xi32>
      %mul3A_214 = arith.muli %get3A_211, %mul3A_213 : vector<16xi32>
      %get3A_215 = arith.index_cast %scan3A_12 : i32 to index
      %get3A_216 = arith.constant 96 : index
      %get3A_217 = tpu.vector_load %arg9[%get3A_215, %get3A_216] {strides = array<i32>} : memref<79x128xi32, #tpu.memory_space<vmem>>, vector<16xi32>,
      %mul3A_218 = arith.constant 4 : i32
      %mul3A_219 = vector.broadcast %mul3A_218 : i32 to vector<16xi32>
      %mul3A_220 = arith.muli %get3A_217, %mul3A_219 : vector<16xi32>
      %mul3A_221 = arith.constant 128 : i32
      %mul3A_222 = arith.muli %scan3A_12, %mul3A_221 : i32
      %add3A_223 = arith.constant 96 : i32
      %add3A_224 = arith.addi %mul3A_222, %add3A_223 : i32
      %add3A_225 = vector.broadcast %add3A_224 : i32 to vector<16xi32>
      %add3A_226 = arith.addi %add3A_225, %iota3A : vector<16xi32>
      %gather3A_227 = tpu.vector_load_idx %arg7[%mul3A_214] : memref<40448xf32, #tpu.memory_space<vmem>>[vector<16xi32>], vector<16xf32>,
      %add3A_228 = arith.constant 1 : i32
      %add3A_229 = vector.broadcast %add3A_228 : i32 to vector<16xi32>
      %add3A_230 = arith.addi %mul3A_214, %add3A_229 : vector<16xi32>
      %gather3A_231 = tpu.vector_load_idx %arg7[%add3A_230] : memref<40448xf32, #tpu.memory_space<vmem>>[vector<16xi32>], vector<16xf32>,
      %add3A_232 = arith.constant 2 : i32
      %add3A_233 = vector.broadcast %add3A_232 : i32 to vector<16xi32>
      %add3A_234 = arith.addi %mul3A_220, %add3A_233 : vector<16xi32>
      %gather3A_235 = tpu.vector_load_idx %arg7[%add3A_234] : memref<40448xf32, #tpu.memory_space<vmem>>[vector<16xi32>], vector<16xf32>,
      %add3A_236 = arith.constant 3 : i32
      %add3A_237 = vector.broadcast %add3A_236 : i32 to vector<16xi32>
      %add3A_238 = arith.addi %mul3A_220, %add3A_237 : vector<16xi32>
      %gather3A_239 = tpu.vector_load_idx %arg7[%add3A_238] : memref<40448xf32, #tpu.memory_space<vmem>>[vector<16xi32>], vector<16xf32>,
      %add3A_240 = arith.addf %gather3A_227, %gather3A_235 : vector<16xf32>
      tpu.vector_store_idx %arg10[%add3A_226], %add3A_240 : memref<10112xf32, #tpu.memory_space<vmem>>[vector<16xi32>], vector<16xf32>,
      %add3A_241 = arith.addf %gather3A_231, %gather3A_239 : vector<16xf32>
      tpu.vector_store_idx %arg11[%add3A_226], %add3A_241 : memref<10112xf32, #tpu.memory_space<vmem>>[vector<16xi32>], vector<16xf32>,
      %get3A_242 = arith.index_cast %scan3A_12 : i32 to index
      %get3A_243 = arith.constant 112 : index
      %get3A_244 = tpu.vector_load %arg8[%get3A_242, %get3A_243] {strides = array<i32>} : memref<79x128xi32, #tpu.memory_space<vmem>>, vector<16xi32>,
      %mul3A_245 = arith.constant 4 : i32
      %mul3A_246 = vector.broadcast %mul3A_245 : i32 to vector<16xi32>
      %mul3A_247 = arith.muli %get3A_244, %mul3A_246 : vector<16xi32>
      %get3A_248 = arith.index_cast %scan3A_12 : i32 to index
      %get3A_249 = arith.constant 112 : index
      %get3A_250 = tpu.vector_load %arg9[%get3A_248, %get3A_249] {strides = array<i32>} : memref<79x128xi32, #tpu.memory_space<vmem>>, vector<16xi32>,
      %mul3A_251 = arith.constant 4 : i32
      %mul3A_252 = vector.broadcast %mul3A_251 : i32 to vector<16xi32>
      %mul3A_253 = arith.muli %get3A_250, %mul3A_252 : vector<16xi32>
      %mul3A_254 = arith.constant 128 : i32
      %mul3A_255 = arith.muli %scan3A_12, %mul3A_254 : i32
      %add3A_256 = arith.constant 112 : i32
      %add3A_257 = arith.addi %mul3A_255, %add3A_256 : i32
      %add3A_258 = vector.broadcast %add3A_257 : i32 to vector<16xi32>
      %add3A_259 = arith.addi %add3A_258, %iota3A : vector<16xi32>
      %gather3A_260 = tpu.vector_load_idx %arg7[%mul3A_247] : memref<40448xf32, #tpu.memory_space<vmem>>[vector<16xi32>], vector<16xf32>,
      %add3A_261 = arith.constant 1 : i32
      %add3A_262 = vector.broadcast %add3A_261 : i32 to vector<16xi32>
      %add3A_263 = arith.addi %mul3A_247, %add3A_262 : vector<16xi32>
      %gather3A_264 = tpu.vector_load_idx %arg7[%add3A_263] : memref<40448xf32, #tpu.memory_space<vmem>>[vector<16xi32>], vector<16xf32>,
      %add3A_265 = arith.constant 2 : i32
      %add3A_266 = vector.broadcast %add3A_265 : i32 to vector<16xi32>
      %add3A_267 = arith.addi %mul3A_253, %add3A_266 : vector<16xi32>
      %gather3A_268 = tpu.vector_load_idx %arg7[%add3A_267] : memref<40448xf32, #tpu.memory_space<vmem>>[vector<16xi32>], vector<16xf32>,
      %add3A_269 = arith.constant 3 : i32
      %add3A_270 = vector.broadcast %add3A_269 : i32 to vector<16xi32>
      %add3A_271 = arith.addi %mul3A_253, %add3A_270 : vector<16xi32>
      %gather3A_272 = tpu.vector_load_idx %arg7[%add3A_271] : memref<40448xf32, #tpu.memory_space<vmem>>[vector<16xi32>], vector<16xf32>,
      %add3A_273 = arith.addf %gather3A_260, %gather3A_268 : vector<16xf32>
      tpu.vector_store_idx %arg10[%add3A_259], %add3A_273 : memref<10112xf32, #tpu.memory_space<vmem>>[vector<16xi32>], vector<16xf32>,
      %add3A_274 = arith.addf %gather3A_264, %gather3A_272 : vector<16xf32>
      tpu.vector_store_idx %arg11[%add3A_259], %add3A_274 : memref<10112xf32, #tpu.memory_space<vmem>>[vector<16xi32>], vector<16xf32>,
    }
    %scan3A_5 = arith.constant 79 : i32
    %lt3A = arith.constant 31 : i32
    %lt3A_6 = arith.cmpi slt, %add3A, %lt3A : i32
    %convert_element_type3A = arith.extui %lt3A_6 : i1 to i32
    %cond3A = arith.constant 0 : i32
    %cond3A_7 = arith.cmpi ne, %convert_element_type3A, %cond3A : i32
    scf.if %cond3A_7 {
      %mul3A_12 = arith.constant 10112 : i32
      %mul3A_13 = arith.muli %add3A, %mul3A_12 : i32
      "tpu.region"() ({
        %run_scoped3A = tpu.sem_alloc : memref<!tpu.dma_semaphore, #tpu.memory_space<semaphore_mem>>
        %dma_start3A = tpu.memref_slice %arg5[%mul3A_13] : memref<320000xf32, #tpu.memory_space<hbm>> -> memref<10112xf32, #tpu.memory_space<hbm>>
        %dma_start3A_16 = tpu.memref_slice %arg5[%mul3A_13] : memref<320000xf32, #tpu.memory_space<hbm>> -> memref<10112xf32, #tpu.memory_space<hbm>>
        tpu.enqueue_dma source(%arg10 : memref<10112xf32, #tpu.memory_space<vmem>>) target(%dma_start3A_16 : memref<10112xf32, #tpu.memory_space<hbm>>) target_semaphore(%run_scoped3A : memref<!tpu.dma_semaphore, #tpu.memory_space<semaphore_mem>>)
        %dma_wait3A = tpu.memref_slice %arg5[%mul3A_13] : memref<320000xf32, #tpu.memory_space<hbm>> -> memref<10112xf32, #tpu.memory_space<hbm>>
        %dma_wait3A_17 = tpu.memref_slice %arg5[%mul3A_13] : memref<320000xf32, #tpu.memory_space<hbm>> -> memref<10112xf32, #tpu.memory_space<hbm>>
        tpu.wait_dma2 semaphore(%run_scoped3A : memref<!tpu.dma_semaphore, #tpu.memory_space<semaphore_mem>>) src(%arg10 : memref<10112xf32, #tpu.memory_space<vmem>>) dst(%dma_wait3A_17 : memref<10112xf32, #tpu.memory_space<hbm>>)
        tpu.yield
      }) : () -> ()
      %mul3A_14 = arith.constant 10112 : i32
      %mul3A_15 = arith.muli %add3A, %mul3A_14 : i32
      "tpu.region"() ({
        %run_scoped3A = tpu.sem_alloc : memref<!tpu.dma_semaphore, #tpu.memory_space<semaphore_mem>>
        %dma_start3A = tpu.memref_slice %arg6[%mul3A_15] : memref<320000xf32, #tpu.memory_space<hbm>> -> memref<10112xf32, #tpu.memory_space<hbm>>
        %dma_start3A_16 = tpu.memref_slice %arg6[%mul3A_15] : memref<320000xf32, #tpu.memory_space<hbm>> -> memref<10112xf32, #tpu.memory_space<hbm>>
        tpu.enqueue_dma source(%arg11 : memref<10112xf32, #tpu.memory_space<vmem>>) target(%dma_start3A_16 : memref<10112xf32, #tpu.memory_space<hbm>>) target_semaphore(%run_scoped3A : memref<!tpu.dma_semaphore, #tpu.memory_space<semaphore_mem>>)
        %dma_wait3A = tpu.memref_slice %arg6[%mul3A_15] : memref<320000xf32, #tpu.memory_space<hbm>> -> memref<10112xf32, #tpu.memory_space<hbm>>
        %dma_wait3A_17 = tpu.memref_slice %arg6[%mul3A_15] : memref<320000xf32, #tpu.memory_space<hbm>> -> memref<10112xf32, #tpu.memory_space<hbm>>
        tpu.wait_dma2 semaphore(%run_scoped3A : memref<!tpu.dma_semaphore, #tpu.memory_space<semaphore_mem>>) src(%arg11 : memref<10112xf32, #tpu.memory_space<vmem>>) dst(%dma_wait3A_17 : memref<10112xf32, #tpu.memory_space<hbm>>)
        tpu.yield
      }) : () -> ()
    } else {
    }
    %eq3A = arith.constant 31 : i32
    %eq3A_8 = arith.cmpi eq, %add3A, %eq3A : i32
    %convert_element_type3A_9 = arith.extui %eq3A_8 : i1 to i32
    %cond3A_10 = arith.constant 0 : i32
    %cond3A_11 = arith.cmpi ne, %convert_element_type3A_9, %cond3A_10 : i32
    scf.if %cond3A_11 {
      %mul3A_12 = arith.constant 10112 : i32
      %mul3A_13 = arith.muli %add3A, %mul3A_12 : i32
      "tpu.region"() ({
        %run_scoped3A = tpu.sem_alloc : memref<!tpu.dma_semaphore, #tpu.memory_space<semaphore_mem>>
        %dma_start3A = arith.constant 0 : i32
        %dma_start3A_16 = tpu.memref_slice %arg10[%dma_start3A] : memref<10112xf32, #tpu.memory_space<vmem>> -> memref<6528xf32, #tpu.memory_space<vmem>>
        %dma_start3A_17 = tpu.memref_slice %arg5[%mul3A_13] : memref<320000xf32, #tpu.memory_space<hbm>> -> memref<6528xf32, #tpu.memory_space<hbm>>
        %dma_start3A_18 = tpu.memref_slice %arg5[%mul3A_13] : memref<320000xf32, #tpu.memory_space<hbm>> -> memref<6528xf32, #tpu.memory_space<hbm>>
        %dma_start3A_19 = arith.constant 0 : i32
        %dma_start3A_20 = tpu.memref_slice %arg10[%dma_start3A_19] : memref<10112xf32, #tpu.memory_space<vmem>> -> memref<6528xf32, #tpu.memory_space<vmem>>
        tpu.enqueue_dma source(%dma_start3A_20 : memref<6528xf32, #tpu.memory_space<vmem>>) target(%dma_start3A_18 : memref<6528xf32, #tpu.memory_space<hbm>>) target_semaphore(%run_scoped3A : memref<!tpu.dma_semaphore, #tpu.memory_space<semaphore_mem>>)
        %dma_wait3A = arith.constant 0 : i32
        %dma_wait3A_21 = tpu.memref_slice %arg10[%dma_wait3A] : memref<10112xf32, #tpu.memory_space<vmem>> -> memref<6528xf32, #tpu.memory_space<vmem>>
        %dma_wait3A_22 = tpu.memref_slice %arg5[%mul3A_13] : memref<320000xf32, #tpu.memory_space<hbm>> -> memref<6528xf32, #tpu.memory_space<hbm>>
        %dma_wait3A_23 = tpu.memref_slice %arg5[%mul3A_13] : memref<320000xf32, #tpu.memory_space<hbm>> -> memref<6528xf32, #tpu.memory_space<hbm>>
        %dma_wait3A_24 = arith.constant 0 : i32
        %dma_wait3A_25 = tpu.memref_slice %arg10[%dma_wait3A_24] : memref<10112xf32, #tpu.memory_space<vmem>> -> memref<6528xf32, #tpu.memory_space<vmem>>
        tpu.wait_dma2 semaphore(%run_scoped3A : memref<!tpu.dma_semaphore, #tpu.memory_space<semaphore_mem>>) src(%dma_wait3A_25 : memref<6528xf32, #tpu.memory_space<vmem>>) dst(%dma_wait3A_23 : memref<6528xf32, #tpu.memory_space<hbm>>)
        tpu.yield
      }) : () -> ()
      %mul3A_14 = arith.constant 10112 : i32
      %mul3A_15 = arith.muli %add3A, %mul3A_14 : i32
      "tpu.region"() ({
        %run_scoped3A = tpu.sem_alloc : memref<!tpu.dma_semaphore, #tpu.memory_space<semaphore_mem>>
        %dma_start3A = arith.constant 0 : i32
        %dma_start3A_16 = tpu.memref_slice %arg11[%dma_start3A] : memref<10112xf32, #tpu.memory_space<vmem>> -> memref<6528xf32, #tpu.memory_space<vmem>>
        %dma_start3A_17 = tpu.memref_slice %arg6[%mul3A_15] : memref<320000xf32, #tpu.memory_space<hbm>> -> memref<6528xf32, #tpu.memory_space<hbm>>
        %dma_start3A_18 = tpu.memref_slice %arg6[%mul3A_15] : memref<320000xf32, #tpu.memory_space<hbm>> -> memref<6528xf32, #tpu.memory_space<hbm>>
        %dma_start3A_19 = arith.constant 0 : i32
        %dma_start3A_20 = tpu.memref_slice %arg11[%dma_start3A_19] : memref<10112xf32, #tpu.memory_space<vmem>> -> memref<6528xf32, #tpu.memory_space<vmem>>
        tpu.enqueue_dma source(%dma_start3A_20 : memref<6528xf32, #tpu.memory_space<vmem>>) target(%dma_start3A_18 : memref<6528xf32, #tpu.memory_space<hbm>>) target_semaphore(%run_scoped3A : memref<!tpu.dma_semaphore, #tpu.memory_space<semaphore_mem>>)
        %dma_wait3A = arith.constant 0 : i32
        %dma_wait3A_21 = tpu.memref_slice %arg11[%dma_wait3A] : memref<10112xf32, #tpu.memory_space<vmem>> -> memref<6528xf32, #tpu.memory_space<vmem>>
        %dma_wait3A_22 = tpu.memref_slice %arg6[%mul3A_15] : memref<320000xf32, #tpu.memory_space<hbm>> -> memref<6528xf32, #tpu.memory_space<hbm>>
        %dma_wait3A_23 = tpu.memref_slice %arg6[%mul3A_15] : memref<320000xf32, #tpu.memory_space<hbm>> -> memref<6528xf32, #tpu.memory_space<hbm>>
        %dma_wait3A_24 = arith.constant 0 : i32
        %dma_wait3A_25 = tpu.memref_slice %arg11[%dma_wait3A_24] : memref<10112xf32, #tpu.memory_space<vmem>> -> memref<6528xf32, #tpu.memory_space<vmem>>
        tpu.wait_dma2 semaphore(%run_scoped3A : memref<!tpu.dma_semaphore, #tpu.memory_space<semaphore_mem>>) src(%dma_wait3A_25 : memref<6528xf32, #tpu.memory_space<vmem>>) dst(%dma_wait3A_23 : memref<6528xf32, #tpu.memory_space<hbm>>)
        tpu.yield
      }) : () -> ()
    } else {
    }
    return
  }
}

module attributes {stable_mosaic.version = 14 : i64} {
  func.func @_sage1_body(%arg0: i32, %arg1: memref<1000x128xf32, #tpu.memory_space<vmem>>, %arg2: memref<1000x128xf32, #tpu.memory_space<vmem>>, %arg3: memref<1000x128xf32, #tpu.memory_space<vmem>>, %arg4: memref<1000x1xf32, #tpu.memory_space<vmem>>, %arg5: memref<1000x1xf32, #tpu.memory_space<vmem>>, %arg6: memref<128x128xf32, #tpu.memory_space<vmem>>, %arg7: memref<1x128xf32, #tpu.memory_space<vmem>>, %arg8: memref<1000x128xf32, #tpu.memory_space<vmem>>) attributes {dimension_semantics = [#tpu.dimension_semantics<arbitrary>], iteration_bounds = array<i64: 10>, scalar_prefetch = 0 : i64, scratch_operands = 0 : i64, tpu.core_type = #tpu.core_type<tc>, window_params = [{transform_indices = @transform_0, window_bounds = array<i64: 1000, 128>}, {transform_indices = @transform_1, window_bounds = array<i64: 1000, 128>}, {transform_indices = @transform_2, window_bounds = array<i64: 1000, 128>}, {transform_indices = @transform_3, window_bounds = array<i64: 1000, 1>}, {transform_indices = @transform_4, window_bounds = array<i64: 1000, 1>}, {pipeline_mode = #tpu.pipeline_mode<synchronous>, transform_indices = @transform_5, window_bounds = array<i64: 128, 128>}, {pipeline_mode = #tpu.pipeline_mode<synchronous>, transform_indices = @transform_6, window_bounds = array<i64: 1, 128>}, {transform_indices = @transform_7, window_bounds = array<i64: 1000, 128>}]} {
    %get3A = arith.constant 0 : index
    %get3A_0 = arith.constant 0 : index
    %get3A_1 = vector.load %arg1[%get3A, %get3A_0] : memref<1000x128xf32, #tpu.memory_space<vmem>>, vector<1000x128xf32>
    %get3A_2 = arith.constant 0 : index
    %get3A_3 = arith.constant 0 : index
    %get3A_4 = vector.load %arg2[%get3A_2, %get3A_3] : memref<1000x128xf32, #tpu.memory_space<vmem>>, vector<1000x128xf32>
    %add3A = arith.addf %get3A_1, %get3A_4 : vector<1000x128xf32>
    %get3A_5 = arith.constant 0 : index
    %get3A_6 = arith.constant 0 : index
    %get3A_7 = vector.load %arg3[%get3A_5, %get3A_6] : memref<1000x128xf32, #tpu.memory_space<vmem>>, vector<1000x128xf32>
    %add3A_8 = arith.addf %add3A, %get3A_7 : vector<1000x128xf32>
    %get3A_9 = arith.constant 0 : index
    %get3A_10 = arith.constant 0 : index
    %get3A_11 = vector.load %arg4[%get3A_9, %get3A_10] : memref<1000x1xf32, #tpu.memory_space<vmem>>, vector<1000x1xf32>
    %get3A_12 = arith.constant 0 : index
    %get3A_13 = arith.constant 0 : index
    %get3A_14 = vector.load %arg5[%get3A_12, %get3A_13] : memref<1000x1xf32, #tpu.memory_space<vmem>>, vector<1000x1xf32>
    %add3A_15 = arith.addf %get3A_11, %get3A_14 : vector<1000x1xf32>
    %add3A_16 = arith.constant 1.000000e+00 : f32
    %add3A_17 = vector.broadcast %add3A_16 : f32 to vector<1000x1xf32>
    %add3A_18 = arith.addf %add3A_15, %add3A_17 : vector<1000x1xf32>
    %div3A = arith.constant 1.000000e+00 : f32
    %div3A_19 = vector.broadcast %div3A : f32 to vector<1000x1xf32>
    %div3A_20 = arith.divf %div3A_19, %add3A_18 : vector<1000x1xf32>
    %mul3A = vector.broadcast %div3A_20 : vector<1000x1xf32> to vector<1000x128xf32>
    %mul3A_21 = arith.mulf %add3A_8, %mul3A : vector<1000x128xf32>
    %get3A_22 = arith.constant 0 : index
    %get3A_23 = arith.constant 0 : index
    %get3A_24 = vector.load %arg6[%get3A_22, %get3A_23] : memref<128x128xf32, #tpu.memory_space<vmem>>, vector<128x128xf32>
    %dot_general3A = arith.constant dense<0.000000e+00> : vector<1000x128xf32>
    %dot_general3A_25 = tpu.matmul %mul3A_21, %get3A_24, %dot_general3A {dimension_numbers = #tpu.dot_dimension_numbers<[1], [0], [0], [1], [0, 0, 1, 1], [], []>, transpose_lhs_hint = false} : vector<1000x128xf32>, vector<128x128xf32>, vector<1000x128xf32> -> vector<1000x128xf32>
    %get3A_26 = arith.constant 0 : index
    %get3A_27 = arith.constant 0 : index
    %get3A_28 = vector.load %arg7[%get3A_26, %get3A_27] : memref<1x128xf32, #tpu.memory_space<vmem>>, vector<1x128xf32>
    %add3A_29 = vector.broadcast %get3A_28 : vector<1x128xf32> to vector<1000x128xf32>
    %add3A_30 = arith.addf %dot_general3A_25, %add3A_29 : vector<1000x128xf32>
    %max3A = arith.constant 0.000000e+00 : f32
    %max3A_31 = vector.broadcast %max3A : f32 to vector<1000x128xf32>
    %max3A_32 = arith.maximumf %add3A_30, %max3A_31 : vector<1000x128xf32>
    %swap3A = arith.constant 0 : index
    %swap3A_33 = arith.constant 0 : index
    %swap3A_34 = vector.load %arg8[%swap3A, %swap3A_33] : memref<1000x128xf32, #tpu.memory_space<vmem>>, vector<1000x128xf32>
    tpu.vector_store %arg8[%swap3A, %swap3A_33], %max3A_32 {strides = array<i32>} : memref<1000x128xf32, #tpu.memory_space<vmem>>, vector<1000x128xf32>,
    return
  }
  func.func @transform_0(%arg0: i32) -> (i32, i32) {
    %c0_i32 = arith.constant 0 : i32
    %c0_i32_0 = arith.constant 0 : i32
    return %arg0, %c0_i32 : i32, i32
  }
  func.func @transform_1(%arg0: i32) -> (i32, i32) {
    %c0_i32 = arith.constant 0 : i32
    %c0_i32_0 = arith.constant 0 : i32
    return %arg0, %c0_i32 : i32, i32
  }
  func.func @transform_2(%arg0: i32) -> (i32, i32) {
    %c0_i32 = arith.constant 0 : i32
    %c0_i32_0 = arith.constant 0 : i32
    return %arg0, %c0_i32 : i32, i32
  }
  func.func @transform_3(%arg0: i32) -> (i32, i32) {
    %c0_i32 = arith.constant 0 : i32
    %c0_i32_0 = arith.constant 0 : i32
    return %arg0, %c0_i32 : i32, i32
  }
  func.func @transform_4(%arg0: i32) -> (i32, i32) {
    %c0_i32 = arith.constant 0 : i32
    %c0_i32_0 = arith.constant 0 : i32
    return %arg0, %c0_i32 : i32, i32
  }
  func.func @transform_5(%arg0: i32) -> (i32, i32) {
    %c0_i32 = arith.constant 0 : i32
    %c0_i32_0 = arith.constant 0 : i32
    %c0_i32_1 = arith.constant 0 : i32
    return %c0_i32, %c0_i32_0 : i32, i32
  }
  func.func @transform_6(%arg0: i32) -> (i32, i32) {
    %c0_i32 = arith.constant 0 : i32
    %c0_i32_0 = arith.constant 0 : i32
    %c0_i32_1 = arith.constant 0 : i32
    return %c0_i32, %c0_i32_0 : i32, i32
  }
  func.func @transform_7(%arg0: i32) -> (i32, i32) {
    %c0_i32 = arith.constant 0 : i32
    %c0_i32_0 = arith.constant 0 : i32
    return %arg0, %c0_i32 : i32, i32
  }
}

module attributes {stable_mosaic.version = 14 : i64} {
  func.func @_sage2_body(%arg0: i32, %arg1: memref<1000x128xf32, #tpu.memory_space<vmem>>, %arg2: memref<1000x128xf32, #tpu.memory_space<vmem>>, %arg3: memref<1000x128xf32, #tpu.memory_space<vmem>>, %arg4: memref<1000x1xf32, #tpu.memory_space<vmem>>, %arg5: memref<1000x1xf32, #tpu.memory_space<vmem>>, %arg6: memref<128x128xf32, #tpu.memory_space<vmem>>, %arg7: memref<1x128xf32, #tpu.memory_space<vmem>>, %arg8: memref<128x4xf32, #tpu.memory_space<vmem>>, %arg9: memref<1000x4xf32, #tpu.memory_space<vmem>>) attributes {dimension_semantics = [#tpu.dimension_semantics<arbitrary>], iteration_bounds = array<i64: 10>, scalar_prefetch = 0 : i64, scratch_operands = 0 : i64, tpu.core_type = #tpu.core_type<tc>, window_params = [{transform_indices = @transform_0, window_bounds = array<i64: 1000, 128>}, {transform_indices = @transform_1, window_bounds = array<i64: 1000, 128>}, {transform_indices = @transform_2, window_bounds = array<i64: 1000, 128>}, {transform_indices = @transform_3, window_bounds = array<i64: 1000, 1>}, {transform_indices = @transform_4, window_bounds = array<i64: 1000, 1>}, {pipeline_mode = #tpu.pipeline_mode<synchronous>, transform_indices = @transform_5, window_bounds = array<i64: 128, 128>}, {pipeline_mode = #tpu.pipeline_mode<synchronous>, transform_indices = @transform_6, window_bounds = array<i64: 1, 128>}, {pipeline_mode = #tpu.pipeline_mode<synchronous>, transform_indices = @transform_7, window_bounds = array<i64: 128, 4>}, {transform_indices = @transform_8, window_bounds = array<i64: 1000, 4>}]} {
    %get3A = arith.constant 0 : index
    %get3A_0 = arith.constant 0 : index
    %get3A_1 = vector.load %arg1[%get3A, %get3A_0] : memref<1000x128xf32, #tpu.memory_space<vmem>>, vector<1000x128xf32>
    %get3A_2 = arith.constant 0 : index
    %get3A_3 = arith.constant 0 : index
    %get3A_4 = vector.load %arg2[%get3A_2, %get3A_3] : memref<1000x128xf32, #tpu.memory_space<vmem>>, vector<1000x128xf32>
    %add3A = arith.addf %get3A_1, %get3A_4 : vector<1000x128xf32>
    %get3A_5 = arith.constant 0 : index
    %get3A_6 = arith.constant 0 : index
    %get3A_7 = vector.load %arg3[%get3A_5, %get3A_6] : memref<1000x128xf32, #tpu.memory_space<vmem>>, vector<1000x128xf32>
    %add3A_8 = arith.addf %add3A, %get3A_7 : vector<1000x128xf32>
    %get3A_9 = arith.constant 0 : index
    %get3A_10 = arith.constant 0 : index
    %get3A_11 = vector.load %arg4[%get3A_9, %get3A_10] : memref<1000x1xf32, #tpu.memory_space<vmem>>, vector<1000x1xf32>
    %get3A_12 = arith.constant 0 : index
    %get3A_13 = arith.constant 0 : index
    %get3A_14 = vector.load %arg5[%get3A_12, %get3A_13] : memref<1000x1xf32, #tpu.memory_space<vmem>>, vector<1000x1xf32>
    %add3A_15 = arith.addf %get3A_11, %get3A_14 : vector<1000x1xf32>
    %add3A_16 = arith.constant 1.000000e+00 : f32
    %add3A_17 = vector.broadcast %add3A_16 : f32 to vector<1000x1xf32>
    %add3A_18 = arith.addf %add3A_15, %add3A_17 : vector<1000x1xf32>
    %div3A = arith.constant 1.000000e+00 : f32
    %div3A_19 = vector.broadcast %div3A : f32 to vector<1000x1xf32>
    %div3A_20 = arith.divf %div3A_19, %add3A_18 : vector<1000x1xf32>
    %mul3A = vector.broadcast %div3A_20 : vector<1000x1xf32> to vector<1000x128xf32>
    %mul3A_21 = arith.mulf %add3A_8, %mul3A : vector<1000x128xf32>
    %get3A_22 = arith.constant 0 : index
    %get3A_23 = arith.constant 0 : index
    %get3A_24 = vector.load %arg6[%get3A_22, %get3A_23] : memref<128x128xf32, #tpu.memory_space<vmem>>, vector<128x128xf32>
    %dot_general3A = arith.constant dense<0.000000e+00> : vector<1000x128xf32>
    %dot_general3A_25 = tpu.matmul %mul3A_21, %get3A_24, %dot_general3A {dimension_numbers = #tpu.dot_dimension_numbers<[1], [0], [0], [1], [0, 0, 1, 1], [], []>, transpose_lhs_hint = false} : vector<1000x128xf32>, vector<128x128xf32>, vector<1000x128xf32> -> vector<1000x128xf32>
    %get3A_26 = arith.constant 0 : index
    %get3A_27 = arith.constant 0 : index
    %get3A_28 = vector.load %arg7[%get3A_26, %get3A_27] : memref<1x128xf32, #tpu.memory_space<vmem>>, vector<1x128xf32>
    %add3A_29 = vector.broadcast %get3A_28 : vector<1x128xf32> to vector<1000x128xf32>
    %add3A_30 = arith.addf %dot_general3A_25, %add3A_29 : vector<1000x128xf32>
    %max3A = arith.constant 0.000000e+00 : f32
    %max3A_31 = vector.broadcast %max3A : f32 to vector<1000x128xf32>
    %max3A_32 = arith.maximumf %add3A_30, %max3A_31 : vector<1000x128xf32>
    %get3A_33 = arith.constant 0 : index
    %get3A_34 = arith.constant 0 : index
    %get3A_35 = vector.load %arg8[%get3A_33, %get3A_34] : memref<128x4xf32, #tpu.memory_space<vmem>>, vector<128x4xf32>
    %dot_general3A_36 = arith.constant dense<0.000000e+00> : vector<1000x4xf32>
    %dot_general3A_37 = tpu.matmul %max3A_32, %get3A_35, %dot_general3A_36 {dimension_numbers = #tpu.dot_dimension_numbers<[1], [0], [0], [1], [0, 0, 1, 1], [], []>, transpose_lhs_hint = false} : vector<1000x128xf32>, vector<128x4xf32>, vector<1000x4xf32> -> vector<1000x4xf32>
    %swap3A = arith.constant 0 : index
    %swap3A_38 = arith.constant 0 : index
    %swap3A_39 = vector.load %arg9[%swap3A, %swap3A_38] : memref<1000x4xf32, #tpu.memory_space<vmem>>, vector<1000x4xf32>
    tpu.vector_store %arg9[%swap3A, %swap3A_38], %dot_general3A_37 {strides = array<i32>} : memref<1000x4xf32, #tpu.memory_space<vmem>>, vector<1000x4xf32>,
    return
  }
  func.func @transform_0(%arg0: i32) -> (i32, i32) {
    %c0_i32 = arith.constant 0 : i32
    %c0_i32_0 = arith.constant 0 : i32
    return %arg0, %c0_i32 : i32, i32
  }
  func.func @transform_1(%arg0: i32) -> (i32, i32) {
    %c0_i32 = arith.constant 0 : i32
    %c0_i32_0 = arith.constant 0 : i32
    return %arg0, %c0_i32 : i32, i32
  }
  func.func @transform_2(%arg0: i32) -> (i32, i32) {
    %c0_i32 = arith.constant 0 : i32
    %c0_i32_0 = arith.constant 0 : i32
    return %arg0, %c0_i32 : i32, i32
  }
  func.func @transform_3(%arg0: i32) -> (i32, i32) {
    %c0_i32 = arith.constant 0 : i32
    %c0_i32_0 = arith.constant 0 : i32
    return %arg0, %c0_i32 : i32, i32
  }
  func.func @transform_4(%arg0: i32) -> (i32, i32) {
    %c0_i32 = arith.constant 0 : i32
    %c0_i32_0 = arith.constant 0 : i32
    return %arg0, %c0_i32 : i32, i32
  }
  func.func @transform_5(%arg0: i32) -> (i32, i32) {
    %c0_i32 = arith.constant 0 : i32
    %c0_i32_0 = arith.constant 0 : i32
    %c0_i32_1 = arith.constant 0 : i32
    return %c0_i32, %c0_i32_0 : i32, i32
  }
  func.func @transform_6(%arg0: i32) -> (i32, i32) {
    %c0_i32 = arith.constant 0 : i32
    %c0_i32_0 = arith.constant 0 : i32
    %c0_i32_1 = arith.constant 0 : i32
    return %c0_i32, %c0_i32_0 : i32, i32
  }
  func.func @transform_7(%arg0: i32) -> (i32, i32) {
    %c0_i32 = arith.constant 0 : i32
    %c0_i32_0 = arith.constant 0 : i32
    %c0_i32_1 = arith.constant 0 : i32
    return %c0_i32, %c0_i32_0 : i32, i32
  }
  func.func @transform_8(%arg0: i32) -> (i32, i32) {
    %c0_i32 = arith.constant 0 : i32
    %c0_i32_0 = arith.constant 0 : i32
    return %arg0, %c0_i32 : i32, i32
  }
}

module attributes {stable_mosaic.version = 14 : i64} {
  func.func @_final_body(%arg0: i32, %arg1: memref<3200x16xf32, #tpu.memory_space<vmem>>, %arg2: memref<320000xf32, #tpu.memory_space<vmem>>, %arg3: memref<320000xf32, #tpu.memory_space<vmem>>, %arg4: memref<16x128xf32, #tpu.memory_space<vmem>>, %arg5: memref<128x1xf32, #tpu.memory_space<vmem>>, %arg6: memref<130x2xf32, #tpu.memory_space<vmem>>, %arg7: memref<1x2xf32, #tpu.memory_space<vmem>>, %arg8: memref<3200x2xf32, #tpu.memory_space<vmem>>) attributes {dimension_semantics = [#tpu.dimension_semantics<arbitrary>], iteration_bounds = array<i64: 100>, scalar_prefetch = 0 : i64, scratch_operands = 0 : i64, tpu.core_type = #tpu.core_type<tc>, window_params = [{transform_indices = @transform_0, window_bounds = array<i64: 3200, 16>}, {pipeline_mode = #tpu.pipeline_mode<synchronous>, transform_indices = @transform_1, window_bounds = array<i64: 320000>}, {pipeline_mode = #tpu.pipeline_mode<synchronous>, transform_indices = @transform_2, window_bounds = array<i64: 320000>}, {pipeline_mode = #tpu.pipeline_mode<synchronous>, transform_indices = @transform_3, window_bounds = array<i64: 16, 128>}, {pipeline_mode = #tpu.pipeline_mode<synchronous>, transform_indices = @transform_4, window_bounds = array<i64: 128, 1>}, {pipeline_mode = #tpu.pipeline_mode<synchronous>, transform_indices = @transform_5, window_bounds = array<i64: 130, 2>}, {pipeline_mode = #tpu.pipeline_mode<synchronous>, transform_indices = @transform_6, window_bounds = array<i64: 1, 2>}, {transform_indices = @transform_7, window_bounds = array<i64: 3200, 2>}]} {
    %get3A = arith.constant 0 : index
    %get3A_0 = arith.constant 0 : index
    %get3A_1 = vector.load %arg4[%get3A, %get3A_0] : memref<16x128xf32, #tpu.memory_space<vmem>>, vector<16x128xf32>
    %get3A_2 = arith.constant 0 : index
    %get3A_3 = arith.constant 0 : index
    %get3A_4 = vector.load %arg1[%get3A_2, %get3A_3] : memref<3200x16xf32, #tpu.memory_space<vmem>>, vector<3200x16xf32>
    %dot_general3A = arith.constant dense<0.000000e+00> : vector<128x3200xf32>
    %dot_general3A_5 = tpu.matmul %get3A_1, %get3A_4, %dot_general3A {dimension_numbers = #tpu.dot_dimension_numbers<[0], [1], [1], [0], [0, 1, 1, 0], [], []>, transpose_lhs_hint = false} : vector<16x128xf32>, vector<3200x16xf32>, vector<128x3200xf32> -> vector<128x3200xf32>
    %get3A_6 = arith.constant 0 : index
    %get3A_7 = arith.constant 0 : index
    %get3A_8 = vector.load %arg5[%get3A_6, %get3A_7] : memref<128x1xf32, #tpu.memory_space<vmem>>, vector<128x1xf32>
    %add3A = vector.broadcast %get3A_8 : vector<128x1xf32> to vector<128x3200xf32>
    %add3A_9 = arith.addf %dot_general3A_5, %add3A : vector<128x3200xf32>
    %max3A = arith.constant 0.000000e+00 : f32
    %max3A_10 = vector.broadcast %max3A : f32 to vector<128x3200xf32>
    %max3A_11 = arith.maximumf %add3A_9, %max3A_10 : vector<128x3200xf32>
    %mul3A = arith.constant 3200 : i32
    %mul3A_12 = arith.muli %arg0, %mul3A : i32
    %get3A_13 = arith.index_cast %mul3A_12 : i32 to index
    %get3A_14 = vector.load %arg2[%get3A_13] : memref<320000xf32, #tpu.memory_space<vmem>>, vector<3200xf32>
    %reshape3A = vector.shape_cast %get3A_14 : vector<3200xf32> to vector<1x3200xf32>
    %mul3A_15 = arith.constant 3200 : i32
    %mul3A_16 = arith.muli %arg0, %mul3A_15 : i32
    %get3A_17 = arith.index_cast %mul3A_16 : i32 to index
    %get3A_18 = vector.load %arg3[%get3A_17] : memref<320000xf32, #tpu.memory_space<vmem>>, vector<3200xf32>
    %reshape3A_19 = vector.shape_cast %get3A_18 : vector<3200xf32> to vector<1x3200xf32>
    %concatenate3A = tpu.concatenate %max3A_11, %reshape3A, %reshape3A_19 in 0 : vector<128x3200xf32>, vector<1x3200xf32>, vector<1x3200xf32> -> vector<130x3200xf32>
    %get3A_20 = arith.constant 0 : index
    %get3A_21 = arith.constant 0 : index
    %get3A_22 = vector.load %arg6[%get3A_20, %get3A_21] : memref<130x2xf32, #tpu.memory_space<vmem>>, vector<130x2xf32>
    %dot_general3A_23 = arith.constant dense<0.000000e+00> : vector<3200x2xf32>
    %dot_general3A_24 = tpu.matmul %concatenate3A, %get3A_22, %dot_general3A_23 {dimension_numbers = #tpu.dot_dimension_numbers<[0], [0], [1], [1], [0, 1, 1, 1], [], []>, transpose_lhs_hint = false} : vector<130x3200xf32>, vector<130x2xf32>, vector<3200x2xf32> -> vector<3200x2xf32>
    %get3A_25 = arith.constant 0 : index
    %get3A_26 = arith.constant 0 : index
    %get3A_27 = vector.load %arg7[%get3A_25, %get3A_26] : memref<1x2xf32, #tpu.memory_space<vmem>>, vector<1x2xf32>
    %add3A_28 = vector.broadcast %get3A_27 : vector<1x2xf32> to vector<3200x2xf32>
    %add3A_29 = arith.addf %dot_general3A_24, %add3A_28 : vector<3200x2xf32>
    %swap3A = arith.constant 0 : index
    %swap3A_30 = arith.constant 0 : index
    %swap3A_31 = vector.load %arg8[%swap3A, %swap3A_30] : memref<3200x2xf32, #tpu.memory_space<vmem>>, vector<3200x2xf32>
    tpu.vector_store %arg8[%swap3A, %swap3A_30], %add3A_29 {strides = array<i32>} : memref<3200x2xf32, #tpu.memory_space<vmem>>, vector<3200x2xf32>,
    return
  }
  func.func @transform_0(%arg0: i32) -> (i32, i32) {
    %c0_i32 = arith.constant 0 : i32
    %c0_i32_0 = arith.constant 0 : i32
    return %arg0, %c0_i32 : i32, i32
  }
  func.func @transform_1(%arg0: i32) -> i32 {
    %c0_i32 = arith.constant 0 : i32
    %c0_i32_0 = arith.constant 0 : i32
    return %c0_i32 : i32
  }
  func.func @transform_2(%arg0: i32) -> i32 {
    %c0_i32 = arith.constant 0 : i32
    %c0_i32_0 = arith.constant 0 : i32
    return %c0_i32 : i32
  }
  func.func @transform_3(%arg0: i32) -> (i32, i32) {
    %c0_i32 = arith.constant 0 : i32
    %c0_i32_0 = arith.constant 0 : i32
    %c0_i32_1 = arith.constant 0 : i32
    return %c0_i32, %c0_i32_0 : i32, i32
  }
  func.func @transform_4(%arg0: i32) -> (i32, i32) {
    %c0_i32 = arith.constant 0 : i32
    %c0_i32_0 = arith.constant 0 : i32
    %c0_i32_1 = arith.constant 0 : i32
    return %c0_i32, %c0_i32_0 : i32, i32
  }
  func.func @transform_5(%arg0: i32) -> (i32, i32) {
    %c0_i32 = arith.constant 0 : i32
    %c0_i32_0 = arith.constant 0 : i32
    %c0_i32_1 = arith.constant 0 : i32
    return %c0_i32, %c0_i32_0 : i32, i32
  }
  func.func @transform_6(%arg0: i32) -> (i32, i32) {
    %c0_i32 = arith.constant 0 : i32
    %c0_i32_0 = arith.constant 0 : i32
    %c0_i32_1 = arith.constant 0 : i32
    return %c0_i32, %c0_i32_0 : i32, i32
  }
  func.func @transform_7(%arg0: i32) -> (i32, i32) {
    %c0_i32 = arith.constant 0 : i32
    %c0_i32_0 = arith.constant 0 : i32
    return %arg0, %c0_i32 : i32, i32
  }
}

</mosaic_0001>

<sc_bundles>
// kernel: kernel.11.cloned.1.call-start
scs
__scs_entry_jumppad:
0x0: {  	(pc) =	sbr.rel $0x88, $3  }
0x1: {  	(tag) =	ssettag $0x0;
	lr =	simm.s32 $0x1  }
0x2: {  	[smem:$0x3F96] =	sst lr;
	_ =	strace $0xD0000000  }
0x3: {  	_ = 	snop  }
0x4: {  	_ = 	snop  }
0x5: {  	_ = 	snop  }
0x6: {  	_ = 	snop  }
0x7: {  	_ = 	snop  }
__scs_overlays_trampoline_lowered:
0x8: {  	[smem:$0x3FA5] =	sst s0  }
0x9: {  	[smem:$0x3FA6] =	sst s1  }
0xa: {  	[smem:$0x3FA7] =	sst s2  }
0xb: {  	[smem:$0x3FA8] =	sst s3  }
0xc: {  	[smem:$0x3FA9] =	sst s4  }
0xd: {  	[smem:$0x3FAA] =	sst s5  }
0xe: {  	[smem:$0x3FAB] =	sst s6  }
0xf: {  	[smem:$0x3FAC] =	sst s7  }
0x10: {  	[smem:$0x3FAD] =	sst s8  }
0x11: {  	[smem:$0x3FAE] =	sst s9;
	s0 =	simm.s32 @!p0 $0x0  }
0x12: {  	s1 =	sld [smem:$0x3F94];
	s0 =	simm.s32 @p0 $0x1  }
0x13: {  	[smem:$0x3FAF] =	sst s0;
	s0 =	simm.s32 @!p1 $0x0  }
0x14: {  	s2 =	sld [smem:$0x3F93];
	s0 =	simm.s32 @p1 $0x1  }
0x15: {  	[smem:$0x3FB0] =	sst s0;
	s0 =	simm.s32 @!p2 $0x0  }
0x16: {  	s3 =	sld [smem:$0x3FDB];
	s0 =	simm.s32 @p2 $0x1  }
0x17: {  	s4 =	simm.s32 $0x1BF5;
	[smem:$0x3FB2] =	sst s0  }
0x18: {  	s0 =	sld [smem:$0x3F95];
	_ =	swait.ge [sflag:s4], $0x0  }
0x19: {  	s7 =	sld [smem:$0x3F96]  }
0x1a: {  	s8 =	sadd.s32 $0xFFFFE003, lr  }
0x1b: {  	s9 =	sadd.s32 $0xFFFFFEF7, lr;
	s5 =	simm.s32 $0xFFFFFFFF;
	p2 =	slt.u32 s8, $0xFFFFF086  }
0x1c: {  	p1 =	slt.u32 s9, $0xF7A;
	s5 =	simm.s32 @!p2 $0x0  }
0x1d: {  	s5 =	simm.s32 @p1 $0x1;
	p0 =	seq.s32 s7, s2  }
0x1e: {  	s7 =	smul.u32 @!p0 $0xF7A, s2;
	p2 =	seq.s32 @!p0 s5, $0x0  }
0x1f: {  	s9 =	smul.u32 $0xF7A, s1;
	s8 =	simm.s32 @!p0 $0x1BF5;
	p2 =	por !p2, p0  }
0x20: {  	[sflag:s8] =	ssyncset.s32 @!p0 $0xFFFFF086;
	s6 =	sadd.s32 @!p0 s3, s7;
	s7 =	simm.s32 @!p0 $0x108  }
0x21: {  	s3 =	sadd.s32 s3, s9;
	s6 =	sadd.s32 @!p0 $0x88, s6;
	s7 =	simm.s32 @p2 $0x1082  }
0x22: {  	[simem:s7], [sflag:s8] =	dma.local @!p0 [hbm:s6], $0xF7A  }
0x23: {  	s9 =	sor.u32 $0xD0000000, s2;
	s6 =	simm.s32 $0x108;
	_ =	swait.ge @!p0 [sflag:s8], $0x0  }
0x24: {  	s3 =	sadd.s32 $0x88, s3;
	s6 =	simm.s32 @!p1 $0x1082;
	[sflag:s4] =	ssyncset.s32 $0xFFFFF086  }
0x25: {  	[simem:s6], [sflag:s4] =	dma.local [hbm:s3], $0xF7A  }
0x26: {  	[smem:$0x3F96] =	sst s1;
	(tag) =	ssettag s2;
	_ =	strace s9  }
0x27: {  	s1 =	sld [smem:$0x3FA6]  }
0x28: {  	s2 =	sld [smem:$0x3FA7]  }
0x29: {  	s4 =	sld [smem:$0x3FA9]  }
0x2a: {  	p0 =	seq.s32 s5, $0x0;
	s5 =	sld [smem:$0x3FAA]  }
0x2b: {  	s6 =	sld [smem:$0x3FAB]  }
0x2c: {  	s7 =	sld [smem:$0x3FAC]  }
0x2d: {  	s3 =	simm.s32 $0x108;
	s8 =	sld [smem:$0x3FAD]  }
0x2e: {  	s3 =	simm.s32 @!p0 $0x1082;
	s9 =	sld [smem:$0x3FAE]  }
0x2f: {  	lr =	sadd.s32 s0, s3;
	s0 =	sld [smem:$0x3FA5]  }
0x30: {  	s3 =	sld [smem:$0x3FA8]  }
0x31: {  	[smem:$0x3FB1] =	sst s10  }
0x32: {  	s10 =	sld [smem:$0x3FAF];
	_ =	sdelay $0x3  }
0x33: {  	p0 =	seq.s32 s10, $0x1;
	s10 =	sld [smem:$0x3FB1];
	_ =	sdelay $0x3  }
0x34: {  	[smem:$0x3FB1] =	sst s10  }
0x35: {  	s10 =	sld [smem:$0x3FB0];
	_ =	sdelay $0x3  }
0x36: {  	p1 =	seq.s32 s10, $0x1;
	s10 =	sld [smem:$0x3FB1];
	_ =	sdelay $0x3  }
0x37: {  	[smem:$0x3FB1] =	sst s10  }
0x38: {  	s10 =	sld [smem:$0x3FB2]  }
0x39: {  	_ = 	snop;
	(pc) =	sbr.ind lr, $3  }
0x3a: {  	_ = 	snop  }
0x3b: {  	_ = 	snop  }
0x3c: {  	p2 =	seq.s32 s10, $0x1;
	s10 =	sld [smem:$0x3FB1]  }
0x3d: {  	_ =	shalt  }
0x3e: {  	_ =	shalt  }
0x3f: {  	_ =	shalt  }
0x40: {  	_ =	shalt  }
0x41: {  	_ =	shalt  }
0x42: {  	_ =	shalt  }
0x43: {  	_ =	shalt  }
0x44: {  	_ =	shalt  }
0x45: {  	_ =	shalt  }
0x46: {  	_ =	shalt  }
0x47: {  	_ =	shalt  }
0x48: {  	_ =	shalt  }
0x49: {  	_ =	shalt  }
0x4a: {  	_ =	shalt  }
0x4b: {  	_ =	shalt  }
0x4c: {  	_ =	shalt  }
0x4d: {  	_ =	shalt  }
0x4e: {  	_ =	shalt  }
0x4f: {  	_ =	shalt  }
0x50: {  	_ =	shalt  }
0x51: {  	_ =	shalt  }
0x52: {  	_ =	shalt  }
0x53: {  	_ =	shalt  }
0x54: {  	_ =	shalt  }
0x55: {  	_ =	shalt  }
0x56: {  	_ =	shalt  }
0x57: {  	_ =	shalt  }
0x58: {  	_ =	shalt  }
0x59: {  	_ =	shalt  }
0x5a: {  	_ =	shalt  }
0x5b: {  	_ =	shalt  }
0x5c: {  	_ =	shalt  }
0x5d: {  	_ =	shalt  }
0x5e: {  	_ =	shalt  }
0x5f: {  	_ =	shalt  }
0x60: {  	_ =	shalt  }
0x61: {  	_ =	shalt  }
0x62: {  	_ =	shalt  }
0x63: {  	_ =	shalt  }
0x64: {  	_ =	shalt  }
0x65: {  	_ =	shalt  }
0x66: {  	_ =	shalt  }
0x67: {  	_ =	shalt  }
0x68: {  	_ =	shalt  }
0x69: {  	_ =	shalt  }
0x6a: {  	_ =	shalt  }
0x6b: {  	_ =	shalt  }
0x6c: {  	_ =	shalt  }
0x6d: {  	_ =	shalt  }
0x6e: {  	_ =	shalt  }
0x6f: {  	_ =	shalt  }
0x70: {  	_ =	shalt  }
0x71: {  	_ =	shalt  }
0x72: {  	_ =	shalt  }
0x73: {  	_ =	shalt  }
0x74: {  	_ =	shalt  }
0x75: {  	_ =	shalt  }
0x76: {  	_ =	shalt  }
0x77: {  	_ =	shalt  }
0x78: {  	_ =	shalt  }
0x79: {  	_ =	shalt  }
0x7a: {  	_ =	shalt  }
0x7b: {  	_ =	shalt  }
0x7c: {  	_ =	shalt  }
0x7d: {  	_ =	shalt  }
0x7e: {  	_ =	shalt  }
0x7f: {  	_ =	shalt  }
0x80: {  	_ =	shalt  }
0x81: {  	_ =	shalt  }
0x82: {  	_ =	shalt  }
0x83: {  	_ =	shalt  }
0x84: {  	_ =	shalt  }
0x85: {  	_ =	shalt  }
0x86: {  	_ =	shalt  }
0x87: {  	_ =	shalt  }
.Lfunc_end0:
.L_simem_size_0:
called_computation.1_lowered:
.L_overlay_start_0:
0x88: {  	s2 =	sld [smem:$0x3FD9]  }
0x89: {  	s3 =	sld [smem:$0x3FFE];
	_ =	sdelay $0x1  }
0x8a: {  	s1 =	srdreg.scid  }
0x8b: {  	s0 =	sand.u32 $0x1, s1  }
0x8c: {  	s17 =	sshll.u32 s0, $0xA;
	s2 =	sadd.s32 s3, s2  }
0x8d: {  	s2 =	sadd.s32 s2, s17  }
0x8e: {  	[smem:$0x3FBD] =	sst s2  }
0x8f: {  	_ = 	snop  }
0x90: {  	s2 =	sld [smem:$0x3FD0];
	(tm) =	ssettm $0x1  }
0x91: {  	s18 =	sld [smem:$0x3FFB];
	_ =	sdelay $0x3  }
0x92: {  	_ =	strace s18  }
0x93: {  	s3 =	sld [smem:$0x3FFC];
	_ =	sdelay $0x3  }
0x94: {  	_ =	strace s3  }
0x95: {  	s3 =	sld [smem:$0x3FFD];
	_ =	sdelay $0x3  }
0x96: {  	_ =	strace s3  }
0x97: {  	_ =	strace $0x8FFFFFFF  }
0x98: {  	s19 =	sld [smem:$0x3FDB];
	_ =	sdelay $0x1  }
0x99: {  	s4 =	simm.s32 $_scs_section_size  }
0x9a: {  	s5 =	simm.s32 $_size__tile_overlayer_lowered;
	s6 =	simm.s32 $_tile_overlayer_lowered  }
0x9b: {  	s22 =	simm.s32 $0x1BFF;
	s21 =	sshll.u32 s6, $0x1;
	s3 =	sadd.s32 s4, s19  }
0x9c: {  	s7 =	simm.s32 $0x0;
	s20 =	sshll.u32 s5, $0x1;
	s5 =	sadd.s32 s21, s3  }
0x9d: {  	[timem:s7], [sflag:s22] =	dma.local [hbm:s5], s20  }
0x9e: {  	_ =	swait.ge [sflag:s22], s20  }
0x9f: {  	s4 =	ssub.s32 $0x0, s20;
	[sflag:s22] =	ssyncset.done $0x0  }
0xa0: {  	[sflag:s22] =	ssyncadd.s32 s4;
	_ =	sdelay $0x1  }
0xa1: {  	s23 =	simm.s32 $0x1B8B  }
0xa2: {  	_ =	swait.ge [sflag:s23], $0x1  }
0xa3: {  	[sflag:s23] =	ssyncset.done $0x0  }
0xa4: {  	s25 =	simm.s32 $0x1B8E;
	s24 =	sld [smem:$0x3FFE];
	[sflag:s23] =	ssyncadd.s32 $0xFFFFFFFF  }
0xa5: {  	s26 =	simm.s32 $execute0_lowered;
	[smem:$0x3FD2] =	sst s25  }
0xa6: {  	s5 =	sshll.u32 s26, $0x1;
	_ =	strace $0x80000049;
	[dreg:$0x1] =	wrdreg $0xFFFFFFFF  }
0xa7: {  	s28 =	simm.s32 $_size_execute0_lowered;
	s3 =	sadd.s32 s3, s5;
	[dreg:$0x0] =	wrdreg $0x0  }
0xa8: {  	s5 =	sshll.u32 s28, $0x1;
	[dreg:$0x2] =	wrdreg s3  }
0xa9: {  	[dreg:$0x3] =	wrdreg s5  }
0xaa: {  	[dreg:$0x4] =	wrdreg $0xC0  }
0xab: {  	_ =	task [dreg:s7], $0x5FFFF  }
0xac: {  	[dreg:$0x1] =	wrdreg $0xFFFFFFFF  }
0xad: {  	[dreg:$0x0] =	wrdreg $0x60  }
0xae: {  	[dreg:$0x2] =	wrdreg s24  }
0xaf: {  	[dreg:$0x3] =	wrdreg s2  }
0xb0: {  	[dreg:$0x4] =	wrdreg $0x0  }
0xb1: {  	[dreg:$0x5] =	wrdreg $0x13C000  }
0xb2: {  	[dreg:$0x6] =	wrdreg $0x9  }
0xb3: {  	_ =	task.clear_ibuf [dreg:s7], $0x7FFFF;
	_ =	strace $0x90000049  }
0xb4: {  	s29 =	simm.s32 $0x9;
	_ =	strace $0x8000004B  }
0xb5: {  	_ =	swait.ge [sflag:s29], $0x1  }
0xb6: {  	[sflag:s29] =	ssyncadd.s32 $0xFFFFFFFF  }
0xb7: {  	_ =	strace $0x9000004B  }
0xb8: {  	_ =	sfence  }
0xb9: {  	s30 =	sld [smem:$0x0];
	_ =	sdelay $0x2  }
0xba: {  	s31 =	sshll.u32 s1, $0xD;
	s1 =	sshrl.u32 s1, $0x2  }
0xbb: {  	s3 =	sand.u32 $0x4000, s31;
	s1 =	sadd.s32 s1, s30  }
0xbc: {  	s0 =	sor.u32 s3, s0;
	s1 =	sshll.u32 s1, $0x11  }
0xbd: {  	s0 =	sor.u32 s1, s0  }
0xbe: {  	s0 =	sadd.s32 $0x8F2B, s0  }
0xbf: {  	[sflag:s0] =	ssyncadd.remote.s32 $0x1  }
0xc0: {  	_ =	sfence.sel $0xFFFF  }
0xc1: {  	[dreg:$0x0] =	wrdreg $0xFFFFFFFF;
	(pc) =	sbr.abs _section_cstart, $3  }
0xc2: {  	[dreg:$0x1] =	wrdreg $0xFFFFFFFF  }
0xc3: {  	_ =	task.clear_ibuf [dreg:s7], $0x2FFFF;
	_ =	strace $0x9FFFFFFF  }
0xc4: {  	(tm) =	ssettm $0x7FFFFFFF  }
0xc5: {  	_ =	shalt  }
tec
execute0_lowered:
.L_overlay_start_1:
0x0: {  	(tag) =	ssettag $0x1  }
0x1: {  	s7 =	rddreg [dreg:$0x0]  }
0x2: {  	s0 =	srdreg.scid;
	s8 =	rddreg [dreg:$0x1]  }
0x3: {  	s13 =	stileid.u32;
	s1 =	rddreg [dreg:$0x2]  }
0x4: {  	s2 =	rddreg [dreg:$0x3];
	s3 =	simm.s32 $0x0;
	s17 =	simm.s32 $0x13E80  }
0x5: {  	s18 =	simm.s32 $0x16680;
	s19 =	simm.s32 $0x1F680;
	s20 =	simm.s32 $0x80  }
0x6: {  	s21 =	simm.s32 $0x18E80;
	s22 =	simm.s32 $0x50;
	s23 =	simm.s32 $0x0  }
0x7: {  	s9 =	sand.u32 $0x1, s0;
	s29 =	sshll.u32 s13, $0x1;
	s6 =	smul.u32 $0x13C00, s13  }
0x8: {  	[smem:$0x7FF] =	sst s3;
	s4 =	sadd.s32 $0xD600, s7;
	s15 =	smul.u32 $0x4F000, s13  }
0x9: {  	s31 =	sshll.u32 s13, $0x6;
	p0 =	sne.s32 s13, $0x0;
	s5 =	smul.u32 $0x13C000, s9  }
0xa: {  	s0 =	sor.u32 s9, s29;
	s12 =	smul.u32 $0x500, s9;
	s9 =	ssub.s32 $0x2, s9  }
0xb: {  	s10 =	smul.u32 $0x500, s0;
	s0 =	rddreg [dreg:$0x4];
	_ =	strace $0x8000004A  }
0xc: {  	s30 =	sshrl.u32 s9, $0x1;
	s15 =	sshrl.u32 s15, $0x2;
	s6 =	sadd.s32 s6, s5  }
0xd: {  	s5 =	sadd.s32 $0x35000, s7;
	s12 =	sadd.s32 s12, s7;
	s16 =	ssub.s32 s9, s30  }
0xe: {  	s15 =	sadd.s32 s15, s1;
	s11 =	sadd.s32 s10, s7;
	s14 =	sshrl.u32 s6, $0x3  }
0xf: {  	s6 =	sadd.s32 $0x34E00, s7;
	s8 =	sadd.s32 s8, s10;
	s13 =	sshrl.u32 s15, $0x3  }
0x10: {  	s15 =	simm.s32 $0x1CE80;
	s14 =	sadd.s32 s14, s7;
	s7 =	sor.u32 $0x1C01, s31  }
0x11: {  	s9 =	sadd.s32 $0x3600, s11;
	s11 =	sadd.s32 $0x37800, s12;
	s12 =	smax.u32 s16, $0x1  }
0x12: {  	s16 =	sshrl.u32 @!p0 s2, $0x3;
	s10 =	sadd.s32 $0x38200, s14;
	s14 =	simm.s32 $0x1  }
.LBB2_1:
0x13: {  	[spmem:s13], [sflag:s7] =	dma.local [hbm:s5], $0x2780  }
0x14: {  	_ =	swait.ge [sflag:s14], $0x2780  }
0x15: {  	[sflag:s14] =	ssyncset.done $0x0  }
0x16: {  	[sflag:s14] =	ssyncadd.s32 $0xFFFFD880  }
0x17: {  	[tilespmem:s15], [sflag:$0x1] =	stream.linear.gather [hbm4b:s5+s3], $0x2800, $0x38;
	[tilespmem:$0x1F700] =	vst v63  }
0x18: {  	_ =	swait.ge [sflag:s14], $0x2800  }
0x19: {  	[sflag:s14] =	ssyncset.done $0x0  }
0x1a: {  	s24 =	simm.s32 @!p0 $0x1;
	[sflag:s14] =	ssyncadd.s32 $0xFFFFD800  }
0x1b: {  	[spmem:s16], [sflag:s7] =	dma.local @!p0 [hbm:s5], $0x500  }
0x1c: {  	_ =	swait.ge @!p0 [sflag:s24], $0x500  }
0x1d: {  	[sflag:s24] =	ssyncset.done @!p0 $0x0  }
0x1e: {  	[sflag:s24] =	ssyncadd.s32 @!p0 $0xFFFFFB00  }
0x1f: {  	[tilespmem:s17], [sflag:$0x1] =	stream.linear.gather [hbm4b:s8+s3], $0x2780, $0x38;
	[tilespmem:$0x1F700] =	vst v63  }
0x20: {  	_ =	swait.ge [sflag:s14], $0x2780  }
0x21: {  	[sflag:s14] =	ssyncset.done $0x0  }
0x22: {  	[sflag:s14] =	ssyncadd.s32 $0xFFFFD880  }
0x23: {  	[tilespmem:s18], [sflag:$0x1] =	stream.linear.gather [hbm4b:s9+s3], $0x2780, $0x38;
	[tilespmem:$0x1F700] =	vst v63  }
0x24: {  	_ =	swait.ge [sflag:s14], $0x2780  }
0x25: {  	[sflag:s14] =	ssyncset.done $0x0  }
0x26: {  	[sflag:s14] =	ssyncadd.s32 $0xFFFFD880  }
0x27: {  	[tilespmem:s19], [sflag:$0x1] =	stream.linear.gather [hbm4b:s6+s3], $0x80, $0x38;
	[tilespmem:$0x1F700] =	vst v63  }
0x28: {  	_ =	swait.ge [sflag:s14], $0x80  }
0x29: {  	[sflag:s14] =	ssyncset.done $0x0  }
0x2a: {  	[sflag:s14] =	ssyncadd.s32 $0xFFFFFF80  }
0x2b: {  	s24 =	simm.s32 $0x0;
	[bflag:$0x0] =	sbarrier.arrive $0xFFFF  }
.LBB2_2:
0x2c: {  	s25 =	sshra.s32 s24, $0x2  }
0x2d: {  	v0 =	vld [tilespmem:s25+$0x16680];
	_ =	sdelay $0x4  }
0x2e: {  	(xrf1) =	vunique.msk.u32 $0xffff, v0;
	_ =	sdelay $0xd  }
0x2f: {  	_, v1, vm0 =	vpop (xrf1);
	_ =	sdelay $0x3  }
0x30: {  	v1 =	vcvt.s32.f32 v1;
	_ =	sdelay $0x1  }
0x31: {  	[tilespmem:v0+s15+$0x0] =	vst.idx.add.f32.msk vm0, v1  }
0x32: {  	v0 =	vld [tilespmem:s25+$0x16690];
	_ =	sdelay $0x4  }
0x33: {  	(xrf1) =	vunique.msk.u32 $0xffff, v0;
	_ =	sdelay $0xd  }
0x34: {  	_, v1, vm0 =	vpop (xrf1);
	_ =	sdelay $0x3  }
0x35: {  	v1 =	vcvt.s32.f32 v1;
	_ =	sdelay $0x1  }
0x36: {  	[tilespmem:v0+s15+$0x0] =	vst.idx.add.f32.msk vm0, v1  }
0x37: {  	v0 =	vld [tilespmem:s25+$0x166A0];
	_ =	sdelay $0x4  }
0x38: {  	(xrf1) =	vunique.msk.u32 $0xffff, v0;
	_ =	sdelay $0xd  }
0x39: {  	_, v1, vm0 =	vpop (xrf1);
	_ =	sdelay $0x3  }
0x3a: {  	v1 =	vcvt.s32.f32 v1;
	_ =	sdelay $0x1  }
0x3b: {  	[tilespmem:v0+s15+$0x0] =	vst.idx.add.f32.msk vm0, v1  }
0x3c: {  	v0 =	vld [tilespmem:s25+$0x166B0];
	_ =	sdelay $0x4  }
0x3d: {  	(xrf1) =	vunique.msk.u32 $0xffff, v0;
	_ =	sdelay $0xd  }
0x3e: {  	_, v1, vm0 =	vpop (xrf1);
	_ =	sdelay $0x3  }
0x3f: {  	v1 =	vcvt.s32.f32 v1;
	_ =	sdelay $0x1  }
0x40: {  	[tilespmem:v0+s15+$0x0] =	vst.idx.add.f32.msk vm0, v1  }
0x41: {  	v0 =	vld [tilespmem:s25+$0x166C0];
	_ =	sdelay $0x4  }
0x42: {  	(xrf1) =	vunique.msk.u32 $0xffff, v0;
	_ =	sdelay $0xd  }
0x43: {  	_, v1, vm0 =	vpop (xrf1);
	_ =	sdelay $0x3  }
0x44: {  	v1 =	vcvt.s32.f32 v1;
	_ =	sdelay $0x1  }
0x45: {  	[tilespmem:v0+s15+$0x0] =	vst.idx.add.f32.msk vm0, v1  }
0x46: {  	v0 =	vld [tilespmem:s25+$0x166D0];
	_ =	sdelay $0x4  }
0x47: {  	(xrf1) =	vunique.msk.u32 $0xffff, v0;
	_ =	sdelay $0xd  }
0x48: {  	_, v1, vm0 =	vpop (xrf1);
	_ =	sdelay $0x3  }
0x49: {  	v1 =	vcvt.s32.f32 v1;
	_ =	sdelay $0x1  }
0x4a: {  	[tilespmem:v0+s15+$0x0] =	vst.idx.add.f32.msk vm0, v1  }
0x4b: {  	v0 =	vld [tilespmem:s25+$0x166E0];
	_ =	sdelay $0x4  }
0x4c: {  	(xrf1) =	vunique.msk.u32 $0xffff, v0;
	_ =	sdelay $0xd  }
0x4d: {  	_, v1, vm0 =	vpop (xrf1);
	_ =	sdelay $0x3  }
0x4e: {  	v1 =	vcvt.s32.f32 v1;
	_ =	sdelay $0x1  }
0x4f: {  	[tilespmem:v0+s15+$0x0] =	vst.idx.add.f32.msk vm0, v1  }
0x50: {  	v0 =	vld [tilespmem:s25+$0x166F0];
	_ =	sdelay $0x4  }
0x51: {  	(xrf1) =	vunique.msk.u32 $0xffff, v0;
	_ =	sdelay $0xd  }
0x52: {  	_, v1, vm0 =	vpop (xrf1);
	_ =	sdelay $0x3  }
0x53: {  	v1 =	vcvt.s32.f32 v1;
	_ =	sdelay $0x1  }
0x54: {  	s26 =	sadd.s32 $0x13E80, s25;
	[tilespmem:v0+s15+$0x0] =	vst.idx.add.f32.msk vm0, v1  }
0x55: {  	[tilespmem:s21], [sflag:$0x1] =	stream.indirect.gather [hbm4b:s4+s20], $0x80, s26, s20, $0xb8;
	[tilespmem:$0x1F700] =	vst v63  }
0x56: {  	_ =	swait.ge [sflag:s14], $0x4000  }
0x57: {  	p1 =	sne.s32 s24, $0x9C00;
	[sflag:s14] =	ssyncset.done $0x0  }
.Ltmp0:
0x58: {  	s25 =	sadd.s32 $0x16680, s25;
	[sflag:s14] =	ssyncadd.s32 $0xFFFFC000;
	(pc) =	sbr.rel @p1 .LBB2_2-.Ltmp0, $4  }
0x59: {  	[spmem:s1] =	stream.indirect.scatter.add.f32 [tilespmem:s21], [sflag:$0x1], $0x80, s25, s20, $0xb8;
	[tilespmem:$0x1F700] =	vst v63  }
0x5a: {  	_ =	swait.ge [sflag:s14], $0x4000  }
0x5b: {  	[sflag:s14] =	ssyncset.done $0x0  }
0x5c: {  	s24 =	sadd.s32 $0x200, s24;
	[sflag:s14] =	ssyncadd.s32 $0xFFFFC000  }
0x5d: {  	[spmem:s2] =	stream.indirect.scatter.add.f32 [tilespmem:s15], [sflag:$0x1], $0x80, s19, s22, $0xb8;
	[tilespmem:$0x1F700] =	vst v63  }
0x5e: {  	_ =	swait.ge [sflag:s14], $0x2800  }
0x5f: {  	[sflag:s14] =	ssyncset.done $0x0  }
0x60: {  	[sflag:s14] =	ssyncadd.s32 $0xFFFFD800  }
0x61: {  	[bflag:$0x0] =	sbarrier.arrive $0xFFFF  }
0x62: {  	[hbm:s10], [sflag:s7] =	dma.local [spmem:s13], $0x2780  }
0x63: {  	s23 =	sadd.s32 $0x1, s23;
	_ =	swait.ge [sflag:s14], $0x2780  }
0x64: {  	p1 =	sne.s32 s23, s12;
	[sflag:s14] =	ssyncset.done $0x0  }
.Ltmp1:
0x65: {  	s24 =	simm.s32 @!p0 $0x1;
	[sflag:s14] =	ssyncadd.s32 $0xFFFFD880;
	(pc) =	sbr.rel @p1 .LBB2_1-.Ltmp1, $4  }
0x66: {  	[hbm:s11], [sflag:s7] =	dma.local @!p0 [spmem:s16], $0x500  }
0x67: {  	_ =	swait.ge @!p0 [sflag:s24], $0x500  }
0x68: {  	[sflag:s24] =	ssyncset.done @!p0 $0x0  }
0x69: {  	[sflag:s24] =	ssyncadd.s32 @!p0 $0xFFFFFB00  }
0x6a: {  	_ =	sfence.sel $0x180000  }
0x6b: {  	[bflag:$0x0] =	sbarrier.arrive $0xFFFF  }
0x6c: {  	_ =	strace $0x9000004A  }
0x6d: {  	s0 =	sadd.s32 @!p0 $0x100000, s0;
	[bflag:$0x2] =	sbarrier.arrive $0xFFFF  }
0x6e: {  	[sflag:s0] =	ssyncadd.tile.s32 @!p0 $0x1;
	_ =	shalt  }
.Lfunc_end2:
_tile_overlayer_lowered:
.L_overlay_start_2:
0x6f: {  	(tag) =	ssettag $0x2  }
0x70: {  	s0 =	rddreg [dreg:$0x0];
	s2 =	stileid.u32  }
0x71: {  	s1 =	rddreg [dreg:$0x1];
	p0 =	sne.s32 s2, $0x0  }
0x72: {  	s3 =	rddreg [dreg:$0x2];
	[bflag:$0x3] =	sbarrier.arrive $0xFFFF;
	s2 =	simm.s32 @!p0 $0x1C01  }
0x73: {  	[timem:s3], [sflag:s2] =	dma.local @!p0 [hbm:s0], s1  }
0x74: {  	s0 =	simm.s32 @!p0 $0x1  }
0x75: {  	_ =	swait.ge @!p0 [sflag:s0], s1  }
0x76: {  	s1 =	ssub.s32 @!p0 $0x0, s1;
	[sflag:s0] =	ssyncset.done @!p0 $0x0  }
0x77: {  	[sflag:s0] =	ssyncadd.s32 @!p0 s1  }
0x78: {  	[bflag:$0x3] =	sbarrier.arrive $0xFFFF  }
0x79: {  	_ =	shalt  }

// kernel: kernel.14.cloned.1.call-start
scs
__scs_entry_jumppad:
0x0: {  	(pc) =	sbr.rel $0x88, $3  }
0x1: {  	(tag) =	ssettag $0x0;
	lr =	simm.s32 $0x1  }
0x2: {  	[smem:$0x3F96] =	sst lr;
	_ =	strace $0xD0000000  }
0x3: {  	_ = 	snop  }
0x4: {  	_ = 	snop  }
0x5: {  	_ = 	snop  }
0x6: {  	_ = 	snop  }
0x7: {  	_ = 	snop  }
__scs_overlays_trampoline_lowered:
0x8: {  	[smem:$0x3FA5] =	sst s0  }
0x9: {  	[smem:$0x3FA6] =	sst s1  }
0xa: {  	[smem:$0x3FA7] =	sst s2  }
0xb: {  	[smem:$0x3FA8] =	sst s3  }
0xc: {  	[smem:$0x3FA9] =	sst s4  }
0xd: {  	[smem:$0x3FAA] =	sst s5  }
0xe: {  	[smem:$0x3FAB] =	sst s6  }
0xf: {  	[smem:$0x3FAC] =	sst s7  }
0x10: {  	[smem:$0x3FAD] =	sst s8  }
0x11: {  	[smem:$0x3FAE] =	sst s9;
	s0 =	simm.s32 @!p0 $0x0  }
0x12: {  	s1 =	sld [smem:$0x3F94];
	s0 =	simm.s32 @p0 $0x1  }
0x13: {  	[smem:$0x3FAF] =	sst s0;
	s0 =	simm.s32 @!p1 $0x0  }
0x14: {  	s2 =	sld [smem:$0x3F93];
	s0 =	simm.s32 @p1 $0x1  }
0x15: {  	[smem:$0x3FB0] =	sst s0;
	s0 =	simm.s32 @!p2 $0x0  }
0x16: {  	s3 =	sld [smem:$0x3FDB];
	s0 =	simm.s32 @p2 $0x1  }
0x17: {  	s4 =	simm.s32 $0x1BF5;
	[smem:$0x3FB2] =	sst s0  }
0x18: {  	s0 =	sld [smem:$0x3F95];
	_ =	swait.ge [sflag:s4], $0x0  }
0x19: {  	s7 =	sld [smem:$0x3F96]  }
0x1a: {  	s8 =	sadd.s32 $0xFFFFE003, lr  }
0x1b: {  	s9 =	sadd.s32 $0xFFFFFEF7, lr;
	s5 =	simm.s32 $0xFFFFFFFF;
	p2 =	slt.u32 s8, $0xFFFFF086  }
0x1c: {  	p1 =	slt.u32 s9, $0xF7A;
	s5 =	simm.s32 @!p2 $0x0  }
0x1d: {  	s5 =	simm.s32 @p1 $0x1;
	p0 =	seq.s32 s7, s2  }
0x1e: {  	s7 =	smul.u32 @!p0 $0xF7A, s2;
	p2 =	seq.s32 @!p0 s5, $0x0  }
0x1f: {  	s9 =	smul.u32 $0xF7A, s1;
	s8 =	simm.s32 @!p0 $0x1BF5;
	p2 =	por !p2, p0  }
0x20: {  	[sflag:s8] =	ssyncset.s32 @!p0 $0xFFFFF086;
	s6 =	sadd.s32 @!p0 s3, s7;
	s7 =	simm.s32 @!p0 $0x108  }
0x21: {  	s3 =	sadd.s32 s3, s9;
	s6 =	sadd.s32 @!p0 $0x88, s6;
	s7 =	simm.s32 @p2 $0x1082  }
0x22: {  	[simem:s7], [sflag:s8] =	dma.local @!p0 [hbm:s6], $0xF7A  }
0x23: {  	s9 =	sor.u32 $0xD0000000, s2;
	s6 =	simm.s32 $0x108;
	_ =	swait.ge @!p0 [sflag:s8], $0x0  }
0x24: {  	s3 =	sadd.s32 $0x88, s3;
	s6 =	simm.s32 @!p1 $0x1082;
	[sflag:s4] =	ssyncset.s32 $0xFFFFF086  }
0x25: {  	[simem:s6], [sflag:s4] =	dma.local [hbm:s3], $0xF7A  }
0x26: {  	[smem:$0x3F96] =	sst s1;
	(tag) =	ssettag s2;
	_ =	strace s9  }
0x27: {  	s1 =	sld [smem:$0x3FA6]  }
0x28: {  	s2 =	sld [smem:$0x3FA7]  }
0x29: {  	s4 =	sld [smem:$0x3FA9]  }
0x2a: {  	p0 =	seq.s32 s5, $0x0;
	s5 =	sld [smem:$0x3FAA]  }
0x2b: {  	s6 =	sld [smem:$0x3FAB]  }
0x2c: {  	s7 =	sld [smem:$0x3FAC]  }
0x2d: {  	s3 =	simm.s32 $0x108;
	s8 =	sld [smem:$0x3FAD]  }
0x2e: {  	s3 =	simm.s32 @!p0 $0x1082;
	s9 =	sld [smem:$0x3FAE]  }
0x2f: {  	lr =	sadd.s32 s0, s3;
	s0 =	sld [smem:$0x3FA5]  }
0x30: {  	s3 =	sld [smem:$0x3FA8]  }
0x31: {  	[smem:$0x3FB1] =	sst s10  }
0x32: {  	s10 =	sld [smem:$0x3FAF];
	_ =	sdelay $0x3  }
0x33: {  	p0 =	seq.s32 s10, $0x1;
	s10 =	sld [smem:$0x3FB1];
	_ =	sdelay $0x3  }
0x34: {  	[smem:$0x3FB1] =	sst s10  }
0x35: {  	s10 =	sld [smem:$0x3FB0];
	_ =	sdelay $0x3  }
0x36: {  	p1 =	seq.s32 s10, $0x1;
	s10 =	sld [smem:$0x3FB1];
	_ =	sdelay $0x3  }
0x37: {  	[smem:$0x3FB1] =	sst s10  }
0x38: {  	s10 =	sld [smem:$0x3FB2]  }
0x39: {  	_ = 	snop;
	(pc) =	sbr.ind lr, $3  }
0x3a: {  	_ = 	snop  }
0x3b: {  	_ = 	snop  }
0x3c: {  	p2 =	seq.s32 s10, $0x1;
	s10 =	sld [smem:$0x3FB1]  }
0x3d: {  	_ =	shalt  }
0x3e: {  	_ =	shalt  }
0x3f: {  	_ =	shalt  }
0x40: {  	_ =	shalt  }
0x41: {  	_ =	shalt  }
0x42: {  	_ =	shalt  }
0x43: {  	_ =	shalt  }
0x44: {  	_ =	shalt  }
0x45: {  	_ =	shalt  }
0x46: {  	_ =	shalt  }
0x47: {  	_ =	shalt  }
0x48: {  	_ =	shalt  }
0x49: {  	_ =	shalt  }
0x4a: {  	_ =	shalt  }
0x4b: {  	_ =	shalt  }
0x4c: {  	_ =	shalt  }
0x4d: {  	_ =	shalt  }
0x4e: {  	_ =	shalt  }
0x4f: {  	_ =	shalt  }
0x50: {  	_ =	shalt  }
0x51: {  	_ =	shalt  }
0x52: {  	_ =	shalt  }
0x53: {  	_ =	shalt  }
0x54: {  	_ =	shalt  }
0x55: {  	_ =	shalt  }
0x56: {  	_ =	shalt  }
0x57: {  	_ =	shalt  }
0x58: {  	_ =	shalt  }
0x59: {  	_ =	shalt  }
0x5a: {  	_ =	shalt  }
0x5b: {  	_ =	shalt  }
0x5c: {  	_ =	shalt  }
0x5d: {  	_ =	shalt  }
0x5e: {  	_ =	shalt  }
0x5f: {  	_ =	shalt  }
0x60: {  	_ =	shalt  }
0x61: {  	_ =	shalt  }
0x62: {  	_ =	shalt  }
0x63: {  	_ =	shalt  }
0x64: {  	_ =	shalt  }
0x65: {  	_ =	shalt  }
0x66: {  	_ =	shalt  }
0x67: {  	_ =	shalt  }
0x68: {  	_ =	shalt  }
0x69: {  	_ =	shalt  }
0x6a: {  	_ =	shalt  }
0x6b: {  	_ =	shalt  }
0x6c: {  	_ =	shalt  }
0x6d: {  	_ =	shalt  }
0x6e: {  	_ =	shalt  }
0x6f: {  	_ =	shalt  }
0x70: {  	_ =	shalt  }
0x71: {  	_ =	shalt  }
0x72: {  	_ =	shalt  }
0x73: {  	_ =	shalt  }
0x74: {  	_ =	shalt  }
0x75: {  	_ =	shalt  }
0x76: {  	_ =	shalt  }
0x77: {  	_ =	shalt  }
0x78: {  	_ =	shalt  }
0x79: {  	_ =	shalt  }
0x7a: {  	_ =	shalt  }
0x7b: {  	_ =	shalt  }
0x7c: {  	_ =	shalt  }
0x7d: {  	_ =	shalt  }
0x7e: {  	_ =	shalt  }
0x7f: {  	_ =	shalt  }
0x80: {  	_ =	shalt  }
0x81: {  	_ =	shalt  }
0x82: {  	_ =	shalt  }
0x83: {  	_ =	shalt  }
0x84: {  	_ =	shalt  }
0x85: {  	_ =	shalt  }
0x86: {  	_ =	shalt  }
0x87: {  	_ =	shalt  }
.Lfunc_end0:
.L_simem_size_0:
called_computation.2_lowered:
.L_overlay_start_0:
0x88: {  	s2 =	sld [smem:$0x3FD9]  }
0x89: {  	s3 =	sld [smem:$0x3FFE];
	_ =	sdelay $0x1  }
0x8a: {  	s1 =	srdreg.scid  }
0x8b: {  	s0 =	sand.u32 $0x1, s1  }
0x8c: {  	s17 =	sshll.u32 s0, $0xA;
	s2 =	sadd.s32 s3, s2  }
0x8d: {  	s2 =	sadd.s32 s2, s17  }
0x8e: {  	[smem:$0x3FBD] =	sst s2  }
0x8f: {  	_ = 	snop  }
0x90: {  	s2 =	sld [smem:$0x3FD0];
	(tm) =	ssettm $0x1  }
0x91: {  	s18 =	sld [smem:$0x3FFB];
	_ =	sdelay $0x3  }
0x92: {  	_ =	strace s18  }
0x93: {  	s3 =	sld [smem:$0x3FFC];
	_ =	sdelay $0x3  }
0x94: {  	_ =	strace s3  }
0x95: {  	s3 =	sld [smem:$0x3FFD];
	_ =	sdelay $0x3  }
0x96: {  	_ =	strace s3  }
0x97: {  	_ =	strace $0x8FFFFFFF  }
0x98: {  	s19 =	sld [smem:$0x3FDB];
	_ =	sdelay $0x1  }
0x99: {  	s4 =	simm.s32 $_scs_section_size  }
0x9a: {  	s5 =	simm.s32 $_size__tile_overlayer_lowered;
	s6 =	simm.s32 $_tile_overlayer_lowered  }
0x9b: {  	s22 =	simm.s32 $0x1BFF;
	s21 =	sshll.u32 s6, $0x1;
	s3 =	sadd.s32 s4, s19  }
0x9c: {  	s7 =	simm.s32 $0x0;
	s20 =	sshll.u32 s5, $0x1;
	s5 =	sadd.s32 s21, s3  }
0x9d: {  	[timem:s7], [sflag:s22] =	dma.local [hbm:s5], s20  }
0x9e: {  	_ =	swait.ge [sflag:s22], s20  }
0x9f: {  	s4 =	ssub.s32 $0x0, s20;
	[sflag:s22] =	ssyncset.done $0x0  }
0xa0: {  	[sflag:s22] =	ssyncadd.s32 s4;
	_ =	sdelay $0x1  }
0xa1: {  	s23 =	simm.s32 $0x1B8B  }
0xa2: {  	_ =	swait.ge [sflag:s23], $0x1  }
0xa3: {  	[sflag:s23] =	ssyncset.done $0x0  }
0xa4: {  	s25 =	simm.s32 $0x1B8E;
	s24 =	sld [smem:$0x3FFE];
	[sflag:s23] =	ssyncadd.s32 $0xFFFFFFFF  }
0xa5: {  	s26 =	simm.s32 $execute0_lowered;
	[smem:$0x3FD2] =	sst s25  }
0xa6: {  	s5 =	sshll.u32 s26, $0x1;
	_ =	strace $0x8000004C;
	[dreg:$0x1] =	wrdreg $0xFFFFFFFF  }
0xa7: {  	s28 =	simm.s32 $_size_execute0_lowered;
	s3 =	sadd.s32 s3, s5;
	[dreg:$0x0] =	wrdreg $0x0  }
0xa8: {  	s5 =	sshll.u32 s28, $0x1;
	[dreg:$0x2] =	wrdreg s3  }
0xa9: {  	[dreg:$0x3] =	wrdreg s5  }
0xaa: {  	[dreg:$0x4] =	wrdreg $0xC0  }
0xab: {  	_ =	task [dreg:s7], $0x5FFFF  }
0xac: {  	[dreg:$0x1] =	wrdreg $0xFFFFFFFF  }
0xad: {  	[dreg:$0x0] =	wrdreg $0x60  }
0xae: {  	[dreg:$0x2] =	wrdreg s24  }
0xaf: {  	[dreg:$0x3] =	wrdreg s2  }
0xb0: {  	[dreg:$0x4] =	wrdreg $0x9  }
0xb1: {  	_ =	task.clear_ibuf [dreg:s7], $0x5FFFF;
	_ =	strace $0x9000004C  }
0xb2: {  	s29 =	simm.s32 $0x9;
	_ =	strace $0x8000004E  }
0xb3: {  	_ =	swait.ge [sflag:s29], $0x1  }
0xb4: {  	[sflag:s29] =	ssyncadd.s32 $0xFFFFFFFF  }
0xb5: {  	_ =	strace $0x9000004E  }
0xb6: {  	_ =	sfence  }
0xb7: {  	s30 =	sld [smem:$0x0];
	_ =	sdelay $0x2  }
0xb8: {  	s31 =	sshll.u32 s1, $0xD;
	s1 =	sshrl.u32 s1, $0x2  }
0xb9: {  	s3 =	sand.u32 $0x4000, s31;
	s1 =	sadd.s32 s1, s30  }
0xba: {  	s0 =	sor.u32 s3, s0;
	s1 =	sshll.u32 s1, $0x11  }
0xbb: {  	s0 =	sor.u32 s1, s0  }
0xbc: {  	s0 =	sadd.s32 $0x8F2B, s0  }
0xbd: {  	[sflag:s0] =	ssyncadd.remote.s32 $0x1  }
0xbe: {  	_ =	sfence.sel $0xFFFF  }
0xbf: {  	[dreg:$0x0] =	wrdreg $0xFFFFFFFF;
	(pc) =	sbr.abs _section_cstart, $3  }
0xc0: {  	[dreg:$0x1] =	wrdreg $0xFFFFFFFF  }
0xc1: {  	_ =	task.clear_ibuf [dreg:s7], $0x2FFFF;
	_ =	strace $0x9FFFFFFF  }
0xc2: {  	(tm) =	ssettm $0x7FFFFFFF  }
0xc3: {  	_ =	shalt  }
tec
execute0_lowered:
.L_overlay_start_1:
0x0: {  	(tag) =	ssettag $0x1  }
0x1: {  	s1 =	srdreg.scid  }
0x2: {  	s0 =	stileid.u32;
	s9 =	rddreg [dreg:$0x0]  }
0x3: {  	s5 =	rddreg [dreg:$0x1];
	s2 =	simm.s32 $0x0;
	s11 =	simm.s32 $0x1  }
0x4: {  	s12 =	simm.s32 $0x9E00;
	s13 =	simm.s32 $0xC600;
	s14 =	simm.s32 $0xEE00  }
0x5: {  	s4 =	sand.u32 $0x1, s1;
	s31 =	sshll.u32 s0, $0x1;
	s1 =	rddreg [dreg:$0x2]  }
0x6: {  	s15 =	simm.s32 $0x11580;
	[smem:$0x7FF] =	sst s2;
	s16 =	sor.u32 s4, s31  }
0x7: {  	s3 =	sadd.s32 $0xD600, s9;
	s4 =	ssub.s32 $0x2, s4;
	s6 =	smul.u32 $0x500, s16  }
0x8: {  	_ =	strace $0x8000004D;
	s7 =	smul.u32 $0x4F0, s16;
	s10 =	sshrl.u32 s4, $0x1  }
0x9: {  	v1 =	vimm.s32 $0x0;
	vm0 =	vcmask $0x300;
	v0 =	vlaneseq.u32;
	p0 =	seq.s32 s16, $0x1F;
	s16 =	simm.s32 $0x0;
	s10 =	ssub.s32 s4, s10  }
0xa: {  	v1 =	vsel vm0, $0x7, v1;
	v2 =	vor.u32 $0x10, v0;
	s8 =	sadd.s32 s6, s9;
	s7 =	sadd.s32 s7, s9;
	s4 =	sadd.s32 s5, s6  }
0xb: {  	v3 =	vor.u32 $0x20, v0;
	v4 =	vor.u32 $0x30, v0;
	v5 =	vor.u32 $0x40, v0;
	s10 =	smax.u32 s10, $0x1;
	s5 =	sadd.s32 $0x3600, s8;
	s6 =	sadd.s32 $0xEA00, s7  }
0xc: {  	v6 =	vor.u32 $0x50, v0;
	v7 =	vor.u32 $0x60, v0;
	v8 =	vor.u32 $0x70, v0;
	s7 =	sadd.s32 $0x18800, s7;
	s8 =	sadd.s32 $0x18310, s9;
	s9 =	sadd.s32 $0x22110, s9  }
.LBB2_1:
0xd: {  	[tilespmem:s2], [sflag:$0x1] =	stream.linear.gather [hbm4b:s3+s2], $0x9E00, $0x38;
	[tilespmem:$0x13D00] =	vst v63  }
0xe: {  	_ =	swait.ge [sflag:s11], $0x9E00  }
0xf: {  	[sflag:s11] =	ssyncset.done $0x0  }
0x10: {  	[sflag:s11] =	ssyncadd.s32 $0xFFFF6200  }
0x11: {  	[tilespmem:s12], [sflag:$0x1] =	stream.linear.gather [hbm4b:s4+s2], $0x2780, $0x38;
	[tilespmem:$0x13D00] =	vst v63  }
0x12: {  	_ =	swait.ge [sflag:s11], $0x2780  }
0x13: {  	[sflag:s11] =	ssyncset.done $0x0  }
0x14: {  	[sflag:s11] =	ssyncadd.s32 $0xFFFFD880  }
0x15: {  	[tilespmem:s13], [sflag:$0x1] =	stream.linear.gather [hbm4b:s5+s2], $0x2780, $0x38;
	[tilespmem:$0x13D00] =	vst v63  }
0x16: {  	_ =	swait.ge [sflag:s11], $0x2780  }
0x17: {  	s17 =	simm.s32 $0x70;
	[sflag:s11] =	ssyncset.done $0x0  }
0x18: {  	s18 =	simm.s32 $0xC640;
	s19 =	simm.s32 $0x9E40;
	[sflag:s11] =	ssyncadd.s32 $0xFFFFD880  }
.LBB2_2:
0x19: {  	v9 =	vld [tilespmem:s19+$0xFFFFFFC0]  }
0x1a: {  	v10 =	vld [tilespmem:s18+$0xFFFFFFC0];
	_ =	sdelay $0x3  }
0x1b: {  	v9 =	vshll.u32 v9, $0x2  }
0x1c: {  	v10 =	vshll.u32 v10, $0x2;
	v11 =	vor.u32 $0x1, v9  }
0x1d: {  	v12 =	vor.u32 $0x2, v10  }
0x1e: {  	s20 =	sadd.s32 $0xFFFFFF90, s17;
	v10 =	vor.u32 $0x3, v10  }
0x1f: {  	v13 =	vmov s20  }
0x20: {  	v13 =	vshrl.u32 v13, $0x7;
	v9 =	vld.idx.msk [tilespmem:v9+s2+$0x0], $0xffff  }
0x21: {  	v13 =	vshll.u32 v13, v1;
	v11 =	vld.idx.msk [tilespmem:v11+s2+$0x0], $0xffff  }
0x22: {  	v13 =	vbroadcast v13, $0x0;
	v12 =	vld.idx.msk [tilespmem:v12+s2+$0x0], $0xffff  }
0x23: {  	v10 =	vld.idx.msk [tilespmem:v10+s2+$0x0], $0xffff  }
0x24: {  	v13 =	vor.u32 v0, v13;
	_ =	sdelay $0x2  }
0x25: {  	v9 =	vadd.f32 v12, v9  }
0x26: {  	v10 =	vadd.f32 v10, v11  }
0x27: {  	[tilespmem:v13+s14+$0x0] =	vst.idx.msk $0xffff, v9  }
0x28: {  	[tilespmem:v13+s15+$0x0] =	vst.idx.msk $0xffff, v10  }
0x29: {  	v9 =	vld [tilespmem:s19+$0xFFFFFFD0]  }
0x2a: {  	v10 =	vld [tilespmem:s18+$0xFFFFFFD0];
	_ =	sdelay $0x3  }
0x2b: {  	v9 =	vshll.u32 v9, $0x2  }
0x2c: {  	v10 =	vshll.u32 v10, $0x2;
	v11 =	vor.u32 $0x1, v9  }
0x2d: {  	v50 =	vor.u32 $0x2, v10  }
0x2e: {  	s25 =	sadd.s32 $0xFFFFFFA0, s17;
	v10 =	vor.u32 $0x3, v10  }
0x2f: {  	v51 =	vmov s25  }
0x30: {  	v13 =	vshrl.u32 v51, $0x7;
	v9 =	vld.idx.msk [tilespmem:v9+s2+$0x0], $0xffff  }
0x31: {  	v13 =	vshll.u32 v13, v1;
	v11 =	vld.idx.msk [tilespmem:v11+s2+$0x0], $0xffff  }
0x32: {  	v13 =	vbroadcast v13, $0x0;
	v12 =	vld.idx.msk [tilespmem:v50+s2+$0x0], $0xffff  }
0x33: {  	v10 =	vld.idx.msk [tilespmem:v10+s2+$0x0], $0xffff  }
0x34: {  	v13 =	vor.u32 v2, v13;
	_ =	sdelay $0x2  }
0x35: {  	v9 =	vadd.f32 v12, v9  }
0x36: {  	v10 =	vadd.f32 v10, v11  }
0x37: {  	[tilespmem:v13+s14+$0x0] =	vst.idx.msk $0xffff, v9  }
0x38: {  	[tilespmem:v13+s15+$0x0] =	vst.idx.msk $0xffff, v10  }
0x39: {  	v9 =	vld [tilespmem:s19+$0xFFFFFFE0]  }
0x3a: {  	v10 =	vld [tilespmem:s18+$0xFFFFFFE0];
	_ =	sdelay $0x3  }
0x3b: {  	v9 =	vshll.u32 v9, $0x2  }
0x3c: {  	v10 =	vshll.u32 v10, $0x2;
	v11 =	vor.u32 $0x1, v9  }
0x3d: {  	v52 =	vor.u32 $0x2, v10  }
0x3e: {  	s26 =	sadd.s32 $0xFFFFFFB0, s17;
	v10 =	vor.u32 $0x3, v10  }
0x3f: {  	v53 =	vmov s26  }
0x40: {  	v13 =	vshrl.u32 v53, $0x7;
	v9 =	vld.idx.msk [tilespmem:v9+s2+$0x0], $0xffff  }
0x41: {  	v13 =	vshll.u32 v13, v1;
	v11 =	vld.idx.msk [tilespmem:v11+s2+$0x0], $0xffff  }
0x42: {  	v13 =	vbroadcast v13, $0x0;
	v12 =	vld.idx.msk [tilespmem:v52+s2+$0x0], $0xffff  }
0x43: {  	v10 =	vld.idx.msk [tilespmem:v10+s2+$0x0], $0xffff  }
0x44: {  	v13 =	vor.u32 v3, v13;
	_ =	sdelay $0x2  }
0x45: {  	v9 =	vadd.f32 v12, v9  }
0x46: {  	v10 =	vadd.f32 v10, v11  }
0x47: {  	[tilespmem:v13+s14+$0x0] =	vst.idx.msk $0xffff, v9  }
0x48: {  	[tilespmem:v13+s15+$0x0] =	vst.idx.msk $0xffff, v10  }
0x49: {  	v9 =	vld [tilespmem:s19+$0xFFFFFFF0]  }
0x4a: {  	v10 =	vld [tilespmem:s18+$0xFFFFFFF0];
	_ =	sdelay $0x3  }
0x4b: {  	v9 =	vshll.u32 v9, $0x2  }
0x4c: {  	v10 =	vshll.u32 v10, $0x2;
	v11 =	vor.u32 $0x1, v9  }
0x4d: {  	v54 =	vor.u32 $0x2, v10  }
0x4e: {  	s28 =	sadd.s32 $0xFFFFFFC0, s17;
	v10 =	vor.u32 $0x3, v10  }
0x4f: {  	v55 =	vmov s28  }
0x50: {  	v13 =	vshrl.u32 v55, $0x7;
	v9 =	vld.idx.msk [tilespmem:v9+s2+$0x0], $0xffff  }
0x51: {  	v13 =	vshll.u32 v13, v1;
	v11 =	vld.idx.msk [tilespmem:v11+s2+$0x0], $0xffff  }
0x52: {  	v13 =	vbroadcast v13, $0x0;
	v12 =	vld.idx.msk [tilespmem:v54+s2+$0x0], $0xffff  }
0x53: {  	v10 =	vld.idx.msk [tilespmem:v10+s2+$0x0], $0xffff  }
0x54: {  	v13 =	vor.u32 v4, v13;
	_ =	sdelay $0x2  }
0x55: {  	v9 =	vadd.f32 v12, v9  }
0x56: {  	v10 =	vadd.f32 v10, v11  }
0x57: {  	[tilespmem:v13+s14+$0x0] =	vst.idx.msk $0xffff, v9  }
0x58: {  	[tilespmem:v13+s15+$0x0] =	vst.idx.msk $0xffff, v10  }
0x59: {  	v9 =	vld [tilespmem:s19+$0x0]  }
0x5a: {  	v10 =	vld [tilespmem:s18+$0x0];
	_ =	sdelay $0x3  }
0x5b: {  	v9 =	vshll.u32 v9, $0x2  }
0x5c: {  	v10 =	vshll.u32 v10, $0x2;
	v11 =	vor.u32 $0x1, v9  }
0x5d: {  	v56 =	vor.u32 $0x2, v10  }
0x5e: {  	s29 =	sadd.s32 $0xFFFFFFD0, s17;
	v10 =	vor.u32 $0x3, v10  }
0x5f: {  	v57 =	vmov s29  }
0x60: {  	v13 =	vshrl.u32 v57, $0x7;
	v9 =	vld.idx.msk [tilespmem:v9+s2+$0x0], $0xffff  }
0x61: {  	v13 =	vshll.u32 v13, v1;
	v11 =	vld.idx.msk [tilespmem:v11+s2+$0x0], $0xffff  }
0x62: {  	v13 =	vbroadcast v13, $0x0;
	v12 =	vld.idx.msk [tilespmem:v56+s2+$0x0], $0xffff  }
0x63: {  	v10 =	vld.idx.msk [tilespmem:v10+s2+$0x0], $0xffff  }
0x64: {  	v13 =	vor.u32 v5, v13;
	_ =	sdelay $0x2  }
0x65: {  	v9 =	vadd.f32 v12, v9  }
0x66: {  	v10 =	vadd.f32 v10, v11  }
0x67: {  	[tilespmem:v13+s14+$0x0] =	vst.idx.msk $0xffff, v9  }
0x68: {  	[tilespmem:v13+s15+$0x0] =	vst.idx.msk $0xffff, v10  }
0x69: {  	v9 =	vld [tilespmem:s19+$0x10]  }
0x6a: {  	v10 =	vld [tilespmem:s18+$0x10];
	_ =	sdelay $0x3  }
0x6b: {  	v9 =	vshll.u32 v9, $0x2  }
0x6c: {  	v10 =	vshll.u32 v10, $0x2;
	v11 =	vor.u32 $0x1, v9  }
0x6d: {  	v58 =	vor.u32 $0x2, v10  }
0x6e: {  	s30 =	sadd.s32 $0xFFFFFFE0, s17;
	v10 =	vor.u32 $0x3, v10  }
0x6f: {  	v59 =	vmov s30  }
0x70: {  	v13 =	vshrl.u32 v59, $0x7;
	v9 =	vld.idx.msk [tilespmem:v9+s2+$0x0], $0xffff  }
0x71: {  	v13 =	vshll.u32 v13, v1;
	v11 =	vld.idx.msk [tilespmem:v11+s2+$0x0], $0xffff  }
0x72: {  	v13 =	vbroadcast v13, $0x0;
	v12 =	vld.idx.msk [tilespmem:v58+s2+$0x0], $0xffff  }
0x73: {  	v10 =	vld.idx.msk [tilespmem:v10+s2+$0x0], $0xffff  }
0x74: {  	v13 =	vor.u32 v6, v13;
	_ =	sdelay $0x2  }
0x75: {  	v9 =	vadd.f32 v12, v9  }
0x76: {  	v10 =	vadd.f32 v10, v11  }
0x77: {  	[tilespmem:v13+s14+$0x0] =	vst.idx.msk $0xffff, v9  }
0x78: {  	[tilespmem:v13+s15+$0x0] =	vst.idx.msk $0xffff, v10  }
0x79: {  	v9 =	vld [tilespmem:s19+$0x20]  }
0x7a: {  	v10 =	vld [tilespmem:s18+$0x20];
	_ =	sdelay $0x3  }
0x7b: {  	v9 =	vshll.u32 v9, $0x2  }
0x7c: {  	v10 =	vshll.u32 v10, $0x2;
	v11 =	vor.u32 $0x1, v9  }
0x7d: {  	v60 =	vor.u32 $0x2, v10  }
0x7e: {  	s31 =	sadd.s32 $0xFFFFFFF0, s17;
	v10 =	vor.u32 $0x3, v10  }
0x7f: {  	v61 =	vmov s31  }
0x80: {  	v13 =	vshrl.u32 v61, $0x7;
	v9 =	vld.idx.msk [tilespmem:v9+s2+$0x0], $0xffff  }
0x81: {  	v13 =	vshll.u32 v13, v1;
	v11 =	vld.idx.msk [tilespmem:v11+s2+$0x0], $0xffff  }
0x82: {  	v13 =	vbroadcast v13, $0x0;
	v12 =	vld.idx.msk [tilespmem:v60+s2+$0x0], $0xffff  }
0x83: {  	v10 =	vld.idx.msk [tilespmem:v10+s2+$0x0], $0xffff  }
0x84: {  	v13 =	vor.u32 v7, v13;
	_ =	sdelay $0x2  }
0x85: {  	v9 =	vadd.f32 v12, v9  }
0x86: {  	v10 =	vadd.f32 v10, v11  }
0x87: {  	[tilespmem:v13+s14+$0x0] =	vst.idx.msk $0xffff, v9  }
0x88: {  	[tilespmem:v13+s15+$0x0] =	vst.idx.msk $0xffff, v10  }
0x89: {  	v9 =	vld [tilespmem:s19+$0x30]  }
0x8a: {  	v10 =	vld [tilespmem:s18+$0x30];
	_ =	sdelay $0x3  }
0x8b: {  	v9 =	vshll.u32 v9, $0x2  }
0x8c: {  	v10 =	vshll.u32 v10, $0x2;
	v11 =	vor.u32 $0x1, v9  }
0x8d: {  	v62 =	vor.u32 $0x2, v10  }
0x8e: {  	v10 =	vor.u32 $0x3, v10  }
0x8f: {  	v63 =	vmov s17  }
0x90: {  	v13 =	vshrl.u32 v63, $0x7;
	v9 =	vld.idx.msk [tilespmem:v9+s2+$0x0], $0xffff  }
0x91: {  	v13 =	vshll.u32 v13, v1;
	v11 =	vld.idx.msk [tilespmem:v11+s2+$0x0], $0xffff  }
0x92: {  	v13 =	vbroadcast v13, $0x0;
	v12 =	vld.idx.msk [tilespmem:v62+s2+$0x0], $0xffff  }
0x93: {  	v10 =	vld.idx.msk [tilespmem:v10+s2+$0x0], $0xffff  }
0x94: {  	v13 =	vor.u32 v8, v13  }
0x95: {  	p1 =	sne.s32 s17, $0x2770  }
.Ltmp0:
0x96: {  	_ = 	snop;
	(pc) =	sbr.rel @p1 .LBB2_2-.Ltmp0, $4  }
0x97: {  	v9 =	vadd.f32 v12, v9  }
0x98: {  	v10 =	vadd.f32 v10, v11  }
0x99: {  	[tilespmem:v13+s14+$0x0] =	vst.idx.msk $0xffff, v9  }
0x9a: {  	s17 =	sadd.s32 $0x80, s17;
	s18 =	sadd.s32 $0x80, s18;
	s19 =	sadd.s32 $0x80, s19;
	[tilespmem:v13+s15+$0x0] =	vst.idx.msk $0xffff, v10  }
0x9b: {  	s17 =	simm.s32 @p0 $0x0;
	s18 =	simm.s32 @p0 $0xEE00  }
0x9c: {  	[hbm4b:s8+s17] =	stream.linear.scatter @p0 [tilespmem:s18], [sflag:$0x1], $0x1980, $0x38;
	[tilespmem:$0x13D00] =	vst v63  }
0x9d: {  	s18 =	simm.s32 @p0 $0x1  }
0x9e: {  	_ =	swait.ge @p0 [sflag:s18], $0x1980  }
0x9f: {  	[sflag:s18] =	ssyncset.done @p0 $0x0  }
0xa0: {  	s19 =	simm.s32 @p0 $0x11580;
	[sflag:s18] =	ssyncadd.s32 @p0 $0xFFFFE680  }
0xa1: {  	[hbm4b:s9+s17] =	stream.linear.scatter @p0 [tilespmem:s19], [sflag:$0x1], $0x1980, $0x38;
	[tilespmem:$0x13D00] =	vst v63  }
0xa2: {  	_ =	swait.ge @p0 [sflag:s18], $0x1980  }
0xa3: {  	[sflag:s18] =	ssyncset.done @p0 $0x0  }
0xa4: {  	s17 =	simm.s32 @!p0 $0x0;
	[sflag:s18] =	ssyncadd.s32 @p0 $0xFFFFE680;
	s18 =	simm.s32 @!p0 $0xEE00  }
0xa5: {  	[hbm4b:s6+s17] =	stream.linear.scatter @!p0 [tilespmem:s18], [sflag:$0x1], $0x2780, $0x38;
	[tilespmem:$0x13D00] =	vst v63  }
0xa6: {  	s18 =	simm.s32 @!p0 $0x1  }
0xa7: {  	s16 =	sadd.s32 $0x1, s16;
	_ =	swait.ge @!p0 [sflag:s18], $0x2780  }
0xa8: {  	p1 =	sne.s32 s16, s10;
	[sflag:s18] =	ssyncset.done @!p0 $0x0  }
.Ltmp1:
0xa9: {  	s19 =	simm.s32 @!p0 $0x11580;
	[sflag:s18] =	ssyncadd.s32 @!p0 $0xFFFFD880;
	(pc) =	sbr.rel @p1 .LBB2_1-.Ltmp1, $4  }
0xaa: {  	[hbm4b:s7+s17] =	stream.linear.scatter @!p0 [tilespmem:s19], [sflag:$0x1], $0x2780, $0x38;
	[tilespmem:$0x13D00] =	vst v63  }
0xab: {  	_ =	swait.ge @!p0 [sflag:s18], $0x2780  }
0xac: {  	[sflag:s18] =	ssyncset.done @!p0 $0x0  }
0xad: {  	[sflag:s18] =	ssyncadd.s32 @!p0 $0xFFFFD880  }
0xae: {  	_ =	sfence.sel $0x180000  }
0xaf: {  	[bflag:$0x0] =	sbarrier.arrive $0xFFFF  }
0xb0: {  	p0 =	sne.s32 s0, $0x0;
	_ =	strace $0x9000004D  }
0xb1: {  	s0 =	sadd.s32 @!p0 $0x100000, s1;
	[bflag:$0x2] =	sbarrier.arrive $0xFFFF  }
0xb2: {  	[sflag:s0] =	ssyncadd.tile.s32 @!p0 $0x1;
	_ =	shalt  }
.Lfunc_end2:
_tile_overlayer_lowered:
.L_overlay_start_2:
0xb3: {  	(tag) =	ssettag $0x2  }
0xb4: {  	s0 =	rddreg [dreg:$0x0];
	s2 =	stileid.u32  }
0xb5: {  	s1 =	rddreg [dreg:$0x1];
	p0 =	sne.s32 s2, $0x0  }
0xb6: {  	s3 =	rddreg [dreg:$0x2];
	[bflag:$0x3] =	sbarrier.arrive $0xFFFF;
	s2 =	simm.s32 @!p0 $0x1C01  }
0xb7: {  	[timem:s3], [sflag:s2] =	dma.local @!p0 [hbm:s0], s1  }
0xb8: {  	s0 =	simm.s32 @!p0 $0x1  }
0xb9: {  	_ =	swait.ge @!p0 [sflag:s0], s1  }
0xba: {  	s1 =	ssub.s32 @!p0 $0x0, s1;
	[sflag:s0] =	ssyncset.done @!p0 $0x0  }
0xbb: {  	[sflag:s0] =	ssyncadd.s32 @!p0 s1  }
0xbc: {  	[bflag:$0x3] =	sbarrier.arrive $0xFFFF  }
0xbd: {  	_ =	shalt  }

// kernel: kernel.8.cloned.1.call-start
scs
__scs_entry_jumppad:
0x0: {  	(pc) =	sbr.rel $0x88, $3  }
0x1: {  	(tag) =	ssettag $0x0;
	lr =	simm.s32 $0x1  }
0x2: {  	[smem:$0x3F96] =	sst lr;
	_ =	strace $0xD0000000  }
0x3: {  	_ = 	snop  }
0x4: {  	_ = 	snop  }
0x5: {  	_ = 	snop  }
0x6: {  	_ = 	snop  }
0x7: {  	_ = 	snop  }
__scs_overlays_trampoline_lowered:
0x8: {  	[smem:$0x3FA5] =	sst s0  }
0x9: {  	[smem:$0x3FA6] =	sst s1  }
0xa: {  	[smem:$0x3FA7] =	sst s2  }
0xb: {  	[smem:$0x3FA8] =	sst s3  }
0xc: {  	[smem:$0x3FA9] =	sst s4  }
0xd: {  	[smem:$0x3FAA] =	sst s5  }
0xe: {  	[smem:$0x3FAB] =	sst s6  }
0xf: {  	[smem:$0x3FAC] =	sst s7  }
0x10: {  	[smem:$0x3FAD] =	sst s8  }
0x11: {  	[smem:$0x3FAE] =	sst s9;
	s0 =	simm.s32 @!p0 $0x0  }
0x12: {  	s1 =	sld [smem:$0x3F94];
	s0 =	simm.s32 @p0 $0x1  }
0x13: {  	[smem:$0x3FAF] =	sst s0;
	s0 =	simm.s32 @!p1 $0x0  }
0x14: {  	s2 =	sld [smem:$0x3F93];
	s0 =	simm.s32 @p1 $0x1  }
0x15: {  	[smem:$0x3FB0] =	sst s0;
	s0 =	simm.s32 @!p2 $0x0  }
0x16: {  	s3 =	sld [smem:$0x3FDB];
	s0 =	simm.s32 @p2 $0x1  }
0x17: {  	s4 =	simm.s32 $0x1BF5;
	[smem:$0x3FB2] =	sst s0  }
0x18: {  	s0 =	sld [smem:$0x3F95];
	_ =	swait.ge [sflag:s4], $0x0  }
0x19: {  	s7 =	sld [smem:$0x3F96]  }
0x1a: {  	s8 =	sadd.s32 $0xFFFFE003, lr  }
0x1b: {  	s9 =	sadd.s32 $0xFFFFFEF7, lr;
	s5 =	simm.s32 $0xFFFFFFFF;
	p2 =	slt.u32 s8, $0xFFFFF086  }
0x1c: {  	p1 =	slt.u32 s9, $0xF7A;
	s5 =	simm.s32 @!p2 $0x0  }
0x1d: {  	s5 =	simm.s32 @p1 $0x1;
	p0 =	seq.s32 s7, s2  }
0x1e: {  	s7 =	smul.u32 @!p0 $0xF7A, s2;
	p2 =	seq.s32 @!p0 s5, $0x0  }
0x1f: {  	s9 =	smul.u32 $0xF7A, s1;
	s8 =	simm.s32 @!p0 $0x1BF5;
	p2 =	por !p2, p0  }
0x20: {  	[sflag:s8] =	ssyncset.s32 @!p0 $0xFFFFF086;
	s6 =	sadd.s32 @!p0 s3, s7;
	s7 =	simm.s32 @!p0 $0x108  }
0x21: {  	s3 =	sadd.s32 s3, s9;
	s6 =	sadd.s32 @!p0 $0x88, s6;
	s7 =	simm.s32 @p2 $0x1082  }
0x22: {  	[simem:s7], [sflag:s8] =	dma.local @!p0 [hbm:s6], $0xF7A  }
0x23: {  	s9 =	sor.u32 $0xD0000000, s2;
	s6 =	simm.s32 $0x108;
	_ =	swait.ge @!p0 [sflag:s8], $0x0  }
0x24: {  	s3 =	sadd.s32 $0x88, s3;
	s6 =	simm.s32 @!p1 $0x1082;
	[sflag:s4] =	ssyncset.s32 $0xFFFFF086  }
0x25: {  	[simem:s6], [sflag:s4] =	dma.local [hbm:s3], $0xF7A  }
0x26: {  	[smem:$0x3F96] =	sst s1;
	(tag) =	ssettag s2;
	_ =	strace s9  }
0x27: {  	s1 =	sld [smem:$0x3FA6]  }
0x28: {  	s2 =	sld [smem:$0x3FA7]  }
0x29: {  	s4 =	sld [smem:$0x3FA9]  }
0x2a: {  	p0 =	seq.s32 s5, $0x0;
	s5 =	sld [smem:$0x3FAA]  }
0x2b: {  	s6 =	sld [smem:$0x3FAB]  }
0x2c: {  	s7 =	sld [smem:$0x3FAC]  }
0x2d: {  	s3 =	simm.s32 $0x108;
	s8 =	sld [smem:$0x3FAD]  }
0x2e: {  	s3 =	simm.s32 @!p0 $0x1082;
	s9 =	sld [smem:$0x3FAE]  }
0x2f: {  	lr =	sadd.s32 s0, s3;
	s0 =	sld [smem:$0x3FA5]  }
0x30: {  	s3 =	sld [smem:$0x3FA8]  }
0x31: {  	[smem:$0x3FB1] =	sst s10  }
0x32: {  	s10 =	sld [smem:$0x3FAF];
	_ =	sdelay $0x3  }
0x33: {  	p0 =	seq.s32 s10, $0x1;
	s10 =	sld [smem:$0x3FB1];
	_ =	sdelay $0x3  }
0x34: {  	[smem:$0x3FB1] =	sst s10  }
0x35: {  	s10 =	sld [smem:$0x3FB0];
	_ =	sdelay $0x3  }
0x36: {  	p1 =	seq.s32 s10, $0x1;
	s10 =	sld [smem:$0x3FB1];
	_ =	sdelay $0x3  }
0x37: {  	[smem:$0x3FB1] =	sst s10  }
0x38: {  	s10 =	sld [smem:$0x3FB2]  }
0x39: {  	_ = 	snop;
	(pc) =	sbr.ind lr, $3  }
0x3a: {  	_ = 	snop  }
0x3b: {  	_ = 	snop  }
0x3c: {  	p2 =	seq.s32 s10, $0x1;
	s10 =	sld [smem:$0x3FB1]  }
0x3d: {  	_ =	shalt  }
0x3e: {  	_ =	shalt  }
0x3f: {  	_ =	shalt  }
0x40: {  	_ =	shalt  }
0x41: {  	_ =	shalt  }
0x42: {  	_ =	shalt  }
0x43: {  	_ =	shalt  }
0x44: {  	_ =	shalt  }
0x45: {  	_ =	shalt  }
0x46: {  	_ =	shalt  }
0x47: {  	_ =	shalt  }
0x48: {  	_ =	shalt  }
0x49: {  	_ =	shalt  }
0x4a: {  	_ =	shalt  }
0x4b: {  	_ =	shalt  }
0x4c: {  	_ =	shalt  }
0x4d: {  	_ =	shalt  }
0x4e: {  	_ =	shalt  }
0x4f: {  	_ =	shalt  }
0x50: {  	_ =	shalt  }
0x51: {  	_ =	shalt  }
0x52: {  	_ =	shalt  }
0x53: {  	_ =	shalt  }
0x54: {  	_ =	shalt  }
0x55: {  	_ =	shalt  }
0x56: {  	_ =	shalt  }
0x57: {  	_ =	shalt  }
0x58: {  	_ =	shalt  }
0x59: {  	_ =	shalt  }
0x5a: {  	_ =	shalt  }
0x5b: {  	_ =	shalt  }
0x5c: {  	_ =	shalt  }
0x5d: {  	_ =	shalt  }
0x5e: {  	_ =	shalt  }
0x5f: {  	_ =	shalt  }
0x60: {  	_ =	shalt  }
0x61: {  	_ =	shalt  }
0x62: {  	_ =	shalt  }
0x63: {  	_ =	shalt  }
0x64: {  	_ =	shalt  }
0x65: {  	_ =	shalt  }
0x66: {  	_ =	shalt  }
0x67: {  	_ =	shalt  }
0x68: {  	_ =	shalt  }
0x69: {  	_ =	shalt  }
0x6a: {  	_ =	shalt  }
0x6b: {  	_ =	shalt  }
0x6c: {  	_ =	shalt  }
0x6d: {  	_ =	shalt  }
0x6e: {  	_ =	shalt  }
0x6f: {  	_ =	shalt  }
0x70: {  	_ =	shalt  }
0x71: {  	_ =	shalt  }
0x72: {  	_ =	shalt  }
0x73: {  	_ =	shalt  }
0x74: {  	_ =	shalt  }
0x75: {  	_ =	shalt  }
0x76: {  	_ =	shalt  }
0x77: {  	_ =	shalt  }
0x78: {  	_ =	shalt  }
0x79: {  	_ =	shalt  }
0x7a: {  	_ =	shalt  }
0x7b: {  	_ =	shalt  }
0x7c: {  	_ =	shalt  }
0x7d: {  	_ =	shalt  }
0x7e: {  	_ =	shalt  }
0x7f: {  	_ =	shalt  }
0x80: {  	_ =	shalt  }
0x81: {  	_ =	shalt  }
0x82: {  	_ =	shalt  }
0x83: {  	_ =	shalt  }
0x84: {  	_ =	shalt  }
0x85: {  	_ =	shalt  }
0x86: {  	_ =	shalt  }
0x87: {  	_ =	shalt  }
.Lfunc_end0:
.L_simem_size_0:
called_computation_lowered:
.L_overlay_start_0:
0x88: {  	s2 =	sld [smem:$0x3FD9]  }
0x89: {  	s3 =	sld [smem:$0x3FFE];
	_ =	sdelay $0x1  }
0x8a: {  	s1 =	srdreg.scid  }
0x8b: {  	s0 =	sand.u32 $0x1, s1  }
0x8c: {  	s17 =	sshll.u32 s0, $0xA;
	s2 =	sadd.s32 s3, s2  }
0x8d: {  	s2 =	sadd.s32 s2, s17  }
0x8e: {  	[smem:$0x3FBD] =	sst s2  }
0x8f: {  	_ = 	snop  }
0x90: {  	s2 =	sld [smem:$0x3FD0];
	(tm) =	ssettm $0x1  }
0x91: {  	s18 =	sld [smem:$0x3FFB];
	_ =	sdelay $0x3  }
0x92: {  	_ =	strace s18  }
0x93: {  	s3 =	sld [smem:$0x3FFC];
	_ =	sdelay $0x3  }
0x94: {  	_ =	strace s3  }
0x95: {  	s3 =	sld [smem:$0x3FFD];
	_ =	sdelay $0x3  }
0x96: {  	_ =	strace s3  }
0x97: {  	_ =	strace $0x8FFFFFFF  }
0x98: {  	s19 =	sld [smem:$0x3FDB];
	_ =	sdelay $0x1  }
0x99: {  	s4 =	simm.s32 $_scs_section_size  }
0x9a: {  	s5 =	simm.s32 $_size__tile_overlayer_lowered;
	s6 =	simm.s32 $_tile_overlayer_lowered  }
0x9b: {  	s22 =	simm.s32 $0x1BFF;
	s21 =	sshll.u32 s6, $0x1;
	s3 =	sadd.s32 s4, s19  }
0x9c: {  	s7 =	simm.s32 $0x0;
	s20 =	sshll.u32 s5, $0x1;
	s5 =	sadd.s32 s21, s3  }
0x9d: {  	[timem:s7], [sflag:s22] =	dma.local [hbm:s5], s20  }
0x9e: {  	_ =	swait.ge [sflag:s22], s20  }
0x9f: {  	s4 =	ssub.s32 $0x0, s20;
	[sflag:s22] =	ssyncset.done $0x0  }
0xa0: {  	[sflag:s22] =	ssyncadd.s32 s4;
	_ =	sdelay $0x1  }
0xa1: {  	s23 =	simm.s32 $0x1B8B  }
0xa2: {  	_ =	swait.ge [sflag:s23], $0x1  }
0xa3: {  	[sflag:s23] =	ssyncset.done $0x0  }
0xa4: {  	s25 =	simm.s32 $0x1B8E;
	s24 =	sld [smem:$0x3FFE];
	[sflag:s23] =	ssyncadd.s32 $0xFFFFFFFF  }
0xa5: {  	s26 =	simm.s32 $execute0_lowered;
	[smem:$0x3FD2] =	sst s25  }
0xa6: {  	s5 =	sshll.u32 s26, $0x1;
	_ =	strace $0x80000046;
	[dreg:$0x1] =	wrdreg $0xFFFFFFFF  }
0xa7: {  	s28 =	simm.s32 $_size_execute0_lowered;
	s3 =	sadd.s32 s3, s5;
	[dreg:$0x0] =	wrdreg $0x0  }
0xa8: {  	s5 =	sshll.u32 s28, $0x1;
	[dreg:$0x2] =	wrdreg s3  }
0xa9: {  	[dreg:$0x3] =	wrdreg s5  }
0xaa: {  	[dreg:$0x4] =	wrdreg $0xC0  }
0xab: {  	_ =	task [dreg:s7], $0x5FFFF  }
0xac: {  	[dreg:$0x1] =	wrdreg $0xFFFFFFFF  }
0xad: {  	[dreg:$0x0] =	wrdreg $0x60  }
0xae: {  	[dreg:$0x2] =	wrdreg s24  }
0xaf: {  	[dreg:$0x3] =	wrdreg s2  }
0xb0: {  	[dreg:$0x4] =	wrdreg $0x0  }
0xb1: {  	[dreg:$0x5] =	wrdreg $0x13C000  }
0xb2: {  	[dreg:$0x6] =	wrdreg $0x9  }
0xb3: {  	_ =	task.clear_ibuf [dreg:s7], $0x7FFFF;
	_ =	strace $0x90000046  }
0xb4: {  	s29 =	simm.s32 $0x9;
	_ =	strace $0x80000048  }
0xb5: {  	_ =	swait.ge [sflag:s29], $0x1  }
0xb6: {  	[sflag:s29] =	ssyncadd.s32 $0xFFFFFFFF  }
0xb7: {  	_ =	strace $0x90000048  }
0xb8: {  	_ =	sfence  }
0xb9: {  	s30 =	sld [smem:$0x0];
	_ =	sdelay $0x2  }
0xba: {  	s31 =	sshll.u32 s1, $0xD;
	s1 =	sshrl.u32 s1, $0x2  }
0xbb: {  	s3 =	sand.u32 $0x4000, s31;
	s1 =	sadd.s32 s1, s30  }
0xbc: {  	s0 =	sor.u32 s3, s0;
	s1 =	sshll.u32 s1, $0x11  }
0xbd: {  	s0 =	sor.u32 s1, s0  }
0xbe: {  	s0 =	sadd.s32 $0x8F2B, s0  }
0xbf: {  	[sflag:s0] =	ssyncadd.remote.s32 $0x1  }
0xc0: {  	_ =	sfence.sel $0xFFFF  }
0xc1: {  	[dreg:$0x0] =	wrdreg $0xFFFFFFFF;
	(pc) =	sbr.abs _section_cstart, $3  }
0xc2: {  	[dreg:$0x1] =	wrdreg $0xFFFFFFFF  }
0xc3: {  	_ =	task.clear_ibuf [dreg:s7], $0x2FFFF;
	_ =	strace $0x9FFFFFFF  }
0xc4: {  	(tm) =	ssettm $0x7FFFFFFF  }
0xc5: {  	_ =	shalt  }
tec
execute0_lowered:
.L_overlay_start_1:
0x0: {  	(tag) =	ssettag $0x1  }
0x1: {  	s7 =	rddreg [dreg:$0x0]  }
0x2: {  	s0 =	srdreg.scid;
	s8 =	rddreg [dreg:$0x1]  }
0x3: {  	s13 =	stileid.u32;
	s1 =	rddreg [dreg:$0x2]  }
0x4: {  	s2 =	rddreg [dreg:$0x3];
	s3 =	simm.s32 $0x0;
	s17 =	simm.s32 $0x13E80  }
0x5: {  	s18 =	simm.s32 $0x16680;
	s19 =	simm.s32 $0x1F680;
	s20 =	simm.s32 $0x80  }
0x6: {  	s21 =	simm.s32 $0x18E80;
	s22 =	simm.s32 $0x50;
	s23 =	simm.s32 $0x0  }
0x7: {  	s9 =	sand.u32 $0x1, s0;
	s29 =	sshll.u32 s13, $0x1;
	s6 =	smul.u32 $0x13C00, s13  }
0x8: {  	[smem:$0x7FF] =	sst s3;
	s4 =	sadd.s32 $0xD600, s7;
	s15 =	smul.u32 $0x4F000, s13  }
0x9: {  	s31 =	sshll.u32 s13, $0x6;
	p0 =	sne.s32 s13, $0x0;
	s5 =	smul.u32 $0x13C000, s9  }
0xa: {  	s0 =	sor.u32 s9, s29;
	s12 =	smul.u32 $0x500, s9;
	s9 =	ssub.s32 $0x2, s9  }
0xb: {  	s10 =	smul.u32 $0x500, s0;
	s0 =	rddreg [dreg:$0x4];
	_ =	strace $0x80000047  }
0xc: {  	s30 =	sshrl.u32 s9, $0x1;
	s15 =	sshrl.u32 s15, $0x2;
	s6 =	sadd.s32 s6, s5  }
0xd: {  	s5 =	sadd.s32 $0x35000, s7;
	s12 =	sadd.s32 s12, s7;
	s16 =	ssub.s32 s9, s30  }
0xe: {  	s15 =	sadd.s32 s15, s1;
	s11 =	sadd.s32 s10, s7;
	s14 =	sshrl.u32 s6, $0x3  }
0xf: {  	s6 =	sadd.s32 $0x34E00, s7;
	s8 =	sadd.s32 s8, s10;
	s13 =	sshrl.u32 s15, $0x3  }
0x10: {  	s15 =	simm.s32 $0x1CE80;
	s14 =	sadd.s32 s14, s7;
	s7 =	sor.u32 $0x1C01, s31  }
0x11: {  	s9 =	sadd.s32 $0x3600, s11;
	s11 =	sadd.s32 $0x86800, s12;
	s12 =	smax.u32 s16, $0x1  }
0x12: {  	s16 =	sshrl.u32 @!p0 s2, $0x3;
	s10 =	sadd.s32 $0x37800, s14;
	s14 =	simm.s32 $0x1  }
.LBB2_1:
0x13: {  	[spmem:s13], [sflag:s7] =	dma.local [hbm:s5], $0x2780  }
0x14: {  	_ =	swait.ge [sflag:s14], $0x2780  }
0x15: {  	[sflag:s14] =	ssyncset.done $0x0  }
0x16: {  	[sflag:s14] =	ssyncadd.s32 $0xFFFFD880  }
0x17: {  	[tilespmem:s15], [sflag:$0x1] =	stream.linear.gather [hbm4b:s5+s3], $0x2800, $0x38;
	[tilespmem:$0x1F700] =	vst v63  }
0x18: {  	_ =	swait.ge [sflag:s14], $0x2800  }
0x19: {  	[sflag:s14] =	ssyncset.done $0x0  }
0x1a: {  	s24 =	simm.s32 @!p0 $0x1;
	[sflag:s14] =	ssyncadd.s32 $0xFFFFD800  }
0x1b: {  	[spmem:s16], [sflag:s7] =	dma.local @!p0 [hbm:s5], $0x500  }
0x1c: {  	_ =	swait.ge @!p0 [sflag:s24], $0x500  }
0x1d: {  	[sflag:s24] =	ssyncset.done @!p0 $0x0  }
0x1e: {  	[sflag:s24] =	ssyncadd.s32 @!p0 $0xFFFFFB00  }
0x1f: {  	[tilespmem:s17], [sflag:$0x1] =	stream.linear.gather [hbm4b:s8+s3], $0x2780, $0x38;
	[tilespmem:$0x1F700] =	vst v63  }
0x20: {  	_ =	swait.ge [sflag:s14], $0x2780  }
0x21: {  	[sflag:s14] =	ssyncset.done $0x0  }
0x22: {  	[sflag:s14] =	ssyncadd.s32 $0xFFFFD880  }
0x23: {  	[tilespmem:s18], [sflag:$0x1] =	stream.linear.gather [hbm4b:s9+s3], $0x2780, $0x38;
	[tilespmem:$0x1F700] =	vst v63  }
0x24: {  	_ =	swait.ge [sflag:s14], $0x2780  }
0x25: {  	[sflag:s14] =	ssyncset.done $0x0  }
0x26: {  	[sflag:s14] =	ssyncadd.s32 $0xFFFFD880  }
0x27: {  	[tilespmem:s19], [sflag:$0x1] =	stream.linear.gather [hbm4b:s6+s3], $0x80, $0x38;
	[tilespmem:$0x1F700] =	vst v63  }
0x28: {  	_ =	swait.ge [sflag:s14], $0x80  }
0x29: {  	[sflag:s14] =	ssyncset.done $0x0  }
0x2a: {  	[sflag:s14] =	ssyncadd.s32 $0xFFFFFF80  }
0x2b: {  	s24 =	simm.s32 $0x0;
	[bflag:$0x0] =	sbarrier.arrive $0xFFFF  }
.LBB2_2:
0x2c: {  	s25 =	sshra.s32 s24, $0x2  }
0x2d: {  	v0 =	vld [tilespmem:s25+$0x16680];
	_ =	sdelay $0x4  }
0x2e: {  	(xrf1) =	vunique.msk.u32 $0xffff, v0;
	_ =	sdelay $0xd  }
0x2f: {  	_, v1, vm0 =	vpop (xrf1);
	_ =	sdelay $0x3  }
0x30: {  	v1 =	vcvt.s32.f32 v1;
	_ =	sdelay $0x1  }
0x31: {  	[tilespmem:v0+s15+$0x0] =	vst.idx.add.f32.msk vm0, v1  }
0x32: {  	v0 =	vld [tilespmem:s25+$0x16690];
	_ =	sdelay $0x4  }
0x33: {  	(xrf1) =	vunique.msk.u32 $0xffff, v0;
	_ =	sdelay $0xd  }
0x34: {  	_, v1, vm0 =	vpop (xrf1);
	_ =	sdelay $0x3  }
0x35: {  	v1 =	vcvt.s32.f32 v1;
	_ =	sdelay $0x1  }
0x36: {  	[tilespmem:v0+s15+$0x0] =	vst.idx.add.f32.msk vm0, v1  }
0x37: {  	v0 =	vld [tilespmem:s25+$0x166A0];
	_ =	sdelay $0x4  }
0x38: {  	(xrf1) =	vunique.msk.u32 $0xffff, v0;
	_ =	sdelay $0xd  }
0x39: {  	_, v1, vm0 =	vpop (xrf1);
	_ =	sdelay $0x3  }
0x3a: {  	v1 =	vcvt.s32.f32 v1;
	_ =	sdelay $0x1  }
0x3b: {  	[tilespmem:v0+s15+$0x0] =	vst.idx.add.f32.msk vm0, v1  }
0x3c: {  	v0 =	vld [tilespmem:s25+$0x166B0];
	_ =	sdelay $0x4  }
0x3d: {  	(xrf1) =	vunique.msk.u32 $0xffff, v0;
	_ =	sdelay $0xd  }
0x3e: {  	_, v1, vm0 =	vpop (xrf1);
	_ =	sdelay $0x3  }
0x3f: {  	v1 =	vcvt.s32.f32 v1;
	_ =	sdelay $0x1  }
0x40: {  	[tilespmem:v0+s15+$0x0] =	vst.idx.add.f32.msk vm0, v1  }
0x41: {  	v0 =	vld [tilespmem:s25+$0x166C0];
	_ =	sdelay $0x4  }
0x42: {  	(xrf1) =	vunique.msk.u32 $0xffff, v0;
	_ =	sdelay $0xd  }
0x43: {  	_, v1, vm0 =	vpop (xrf1);
	_ =	sdelay $0x3  }
0x44: {  	v1 =	vcvt.s32.f32 v1;
	_ =	sdelay $0x1  }
0x45: {  	[tilespmem:v0+s15+$0x0] =	vst.idx.add.f32.msk vm0, v1  }
0x46: {  	v0 =	vld [tilespmem:s25+$0x166D0];
	_ =	sdelay $0x4  }
0x47: {  	(xrf1) =	vunique.msk.u32 $0xffff, v0;
	_ =	sdelay $0xd  }
0x48: {  	_, v1, vm0 =	vpop (xrf1);
	_ =	sdelay $0x3  }
0x49: {  	v1 =	vcvt.s32.f32 v1;
	_ =	sdelay $0x1  }
0x4a: {  	[tilespmem:v0+s15+$0x0] =	vst.idx.add.f32.msk vm0, v1  }
0x4b: {  	v0 =	vld [tilespmem:s25+$0x166E0];
	_ =	sdelay $0x4  }
0x4c: {  	(xrf1) =	vunique.msk.u32 $0xffff, v0;
	_ =	sdelay $0xd  }
0x4d: {  	_, v1, vm0 =	vpop (xrf1);
	_ =	sdelay $0x3  }
0x4e: {  	v1 =	vcvt.s32.f32 v1;
	_ =	sdelay $0x1  }
0x4f: {  	[tilespmem:v0+s15+$0x0] =	vst.idx.add.f32.msk vm0, v1  }
0x50: {  	v0 =	vld [tilespmem:s25+$0x166F0];
	_ =	sdelay $0x4  }
0x51: {  	(xrf1) =	vunique.msk.u32 $0xffff, v0;
	_ =	sdelay $0xd  }
0x52: {  	_, v1, vm0 =	vpop (xrf1);
	_ =	sdelay $0x3  }
0x53: {  	v1 =	vcvt.s32.f32 v1;
	_ =	sdelay $0x1  }
0x54: {  	s26 =	sadd.s32 $0x13E80, s25;
	[tilespmem:v0+s15+$0x0] =	vst.idx.add.f32.msk vm0, v1  }
0x55: {  	[tilespmem:s21], [sflag:$0x1] =	stream.indirect.gather [hbm4b:s4+s20], $0x80, s26, s20, $0xb8;
	[tilespmem:$0x1F700] =	vst v63  }
0x56: {  	_ =	swait.ge [sflag:s14], $0x4000  }
0x57: {  	p1 =	sne.s32 s24, $0x9C00;
	[sflag:s14] =	ssyncset.done $0x0  }
.Ltmp0:
0x58: {  	s25 =	sadd.s32 $0x16680, s25;
	[sflag:s14] =	ssyncadd.s32 $0xFFFFC000;
	(pc) =	sbr.rel @p1 .LBB2_2-.Ltmp0, $4  }
0x59: {  	[spmem:s1] =	stream.indirect.scatter.add.f32 [tilespmem:s21], [sflag:$0x1], $0x80, s25, s20, $0xb8;
	[tilespmem:$0x1F700] =	vst v63  }
0x5a: {  	_ =	swait.ge [sflag:s14], $0x4000  }
0x5b: {  	[sflag:s14] =	ssyncset.done $0x0  }
0x5c: {  	s24 =	sadd.s32 $0x200, s24;
	[sflag:s14] =	ssyncadd.s32 $0xFFFFC000  }
0x5d: {  	[spmem:s2] =	stream.indirect.scatter.add.f32 [tilespmem:s15], [sflag:$0x1], $0x80, s19, s22, $0xb8;
	[tilespmem:$0x1F700] =	vst v63  }
0x5e: {  	_ =	swait.ge [sflag:s14], $0x2800  }
0x5f: {  	[sflag:s14] =	ssyncset.done $0x0  }
0x60: {  	[sflag:s14] =	ssyncadd.s32 $0xFFFFD800  }
0x61: {  	[bflag:$0x0] =	sbarrier.arrive $0xFFFF  }
0x62: {  	[hbm:s10], [sflag:s7] =	dma.local [spmem:s13], $0x2780  }
0x63: {  	s23 =	sadd.s32 $0x1, s23;
	_ =	swait.ge [sflag:s14], $0x2780  }
0x64: {  	p1 =	sne.s32 s23, s12;
	[sflag:s14] =	ssyncset.done $0x0  }
.Ltmp1:
0x65: {  	s24 =	simm.s32 @!p0 $0x1;
	[sflag:s14] =	ssyncadd.s32 $0xFFFFD880;
	(pc) =	sbr.rel @p1 .LBB2_1-.Ltmp1, $4  }
0x66: {  	[hbm:s11], [sflag:s7] =	dma.local @!p0 [spmem:s16], $0x500  }
0x67: {  	_ =	swait.ge @!p0 [sflag:s24], $0x500  }
0x68: {  	[sflag:s24] =	ssyncset.done @!p0 $0x0  }
0x69: {  	[sflag:s24] =	ssyncadd.s32 @!p0 $0xFFFFFB00  }
0x6a: {  	_ =	sfence.sel $0x180000  }
0x6b: {  	[bflag:$0x0] =	sbarrier.arrive $0xFFFF  }
0x6c: {  	_ =	strace $0x90000047  }
0x6d: {  	s0 =	sadd.s32 @!p0 $0x100000, s0;
	[bflag:$0x2] =	sbarrier.arrive $0xFFFF  }
0x6e: {  	[sflag:s0] =	ssyncadd.tile.s32 @!p0 $0x1;
	_ =	shalt  }
.Lfunc_end2:
_tile_overlayer_lowered:
.L_overlay_start_2:
0x6f: {  	(tag) =	ssettag $0x2  }
0x70: {  	s0 =	rddreg [dreg:$0x0];
	s2 =	stileid.u32  }
0x71: {  	s1 =	rddreg [dreg:$0x1];
	p0 =	sne.s32 s2, $0x0  }
0x72: {  	s3 =	rddreg [dreg:$0x2];
	[bflag:$0x3] =	sbarrier.arrive $0xFFFF;
	s2 =	simm.s32 @!p0 $0x1C01  }
0x73: {  	[timem:s3], [sflag:s2] =	dma.local @!p0 [hbm:s0], s1  }
0x74: {  	s0 =	simm.s32 @!p0 $0x1  }
0x75: {  	_ =	swait.ge @!p0 [sflag:s0], s1  }
0x76: {  	s1 =	ssub.s32 @!p0 $0x0, s1;
	[sflag:s0] =	ssyncset.done @!p0 $0x0  }
0x77: {  	[sflag:s0] =	ssyncadd.s32 @!p0 s1  }
0x78: {  	[bflag:$0x3] =	sbarrier.arrive $0xFFFF  }
0x79: {  	_ =	shalt  }

</sc_bundles>
